<compile_context>
chip_gen: v7x
topology: tpu7x:2x2x1
jax: 0.10.2.dev20260603
libtpu: 0.0.44.dev20260713+nightly
codegen_flags: <defaults>
</compile_context>

<pallas_src>
import jax
import jax.numpy as jnp
from jax.experimental import pallas as pl
from jax.experimental.pallas import tpu as pltpu
from jax.experimental.pallas import tpu_sc as plsc


def kernel(input, weight):
    B, S = input.shape
    N, D1, D2 = weight.shape
    D = D1 * D2
    num_indices = B * S

    table = weight.reshape(N, D)
    idx = input.reshape(1, num_indices).astype(jnp.int32)

    WINDOW = 256
    assert num_indices % WINDOW == 0

    mesh = plsc.VectorSubcoreMesh(
        core_axis_name="core", subcore_axis_name="subcore"
    )

    @pl.kernel(
        out_type=jax.ShapeDtypeStruct((num_indices, D), weight.dtype),
        mesh=mesh,
    )
    def sc_gather(x_hbm, i_hbm, o_hbm):
        def body(i_vmem, o_vmem):
            pltpu.sync_copy(x_hbm.at[i_vmem.at[0]], o_vmem)

        pltpu.emit_pipeline(
            body,
            grid=(num_indices // WINDOW,),
            in_specs=[
                pl.BlockSpec((1, WINDOW), index_map=lambda i: (0, i))
            ],
            out_specs=[
                pl.BlockSpec((WINDOW, D), index_map=lambda i: (i, 0))
            ],
            core_axis_name=("core", "subcore"),
            dimension_semantics=(pltpu.PARALLEL,),
        )(i_hbm, o_hbm)

    @pl.kernel(
        out_type=jax.ShapeDtypeStruct((num_indices, D1, D2), weight.dtype),
        mesh=mesh,
    )
    def sc_format(g_hbm, o_hbm):
        FW = 32
        UNROLL = 4

        def body(g_vmem, o_vmem):
            o_flat = o_vmem.reshape(FW * D1, D2)

            @pl.loop(0, FW, step=UNROLL)
            def _(r):
                for u in range(UNROLL):
                    for s in range(D1):
                        o_flat[(r + u) * D1 + s, :] = g_vmem[
                            r + u, pl.ds(s * D2, D2)
                        ]

        pltpu.emit_pipeline(
            body,
            grid=(num_indices // FW,),
            in_specs=[
                pl.BlockSpec((FW, D), index_map=lambda i: (i, 0))
            ],
            out_specs=[
                pl.BlockSpec(
                    (FW, D1, D2), index_map=lambda i: (i, 0, 0)
                )
            ],
            core_axis_name=("core", "subcore"),
            dimension_semantics=(pltpu.PARALLEL,),
        )(g_hbm, o_hbm)

    gathered = sc_gather(table, idx)
    out = sc_format(gathered)
    return out.reshape(B, S, D1, D2)

# --- scband reference (transcript-rebuilt; emitter-appended) ---
"""Pipeline reference for scband-embedding3-d-63720134804005 (READ-ONLY COPY).

The authoritative reference and input builder live on the scoring server;
editing this copy changes nothing except your own understanding.
"""

import jax, jax.numpy as jnp
import numpy as np

NUM_EMBEDDINGS = 100000
D1 = 8
D2 = 16

def setup_inputs(seed: int = 0) -> dict:
    key = jax.random.key(seed)
    k1, k2 = jax.random.split(key)
    input_ids = jax.random.randint(k1, (4096, 26), 0, NUM_EMBEDDINGS, dtype=jnp.int64)
    weight = jax.random.normal(k2, (NUM_EMBEDDINGS, D1, D2), dtype=jnp.float32) * 0.02
    return {"input": input_ids, "weight": weight}

def reference(input, weight):
    flat = input.reshape(-1)
    gathered = jnp.take(weight, flat, axis=0)
    return gathered.reshape(*input.shape, weight.shape[1], weight.shape[2])

if __name__ == "__main__":
    import jax
    _d = setup_inputs()
    print(jax.jit(kernel)(*tuple(_d.values())))

</pallas_src>

<mosaic_0001>
#map = affine_map<(d0, d1) -> (0, 0)>
#map1 = affine_map<(d0, d1) -> (0, 0, 0)>
module attributes {stable_mosaic.version = 14 : i64} {
  func.func @sc_format(%arg0: i32, %arg1: i32, %arg2: memref<106496x128xf32, #tpu.memory_space<hbm>>, %arg3: memref<106496x8x16xf32, #tpu.memory_space<hbm>>) attributes {dimension_semantics = [#tpu.dimension_semantics<core_parallel>, #tpu.dimension_semantics<subcore_parallel>], iteration_bounds = array<i64: 2, 16>, scalar_prefetch = 0 : i64, scratch_operands = 0 : i64, tpu.core_type = #tpu.core_type<sc_vector_subcore>, window_params = [{transform_indices = #map}, {transform_indices = #map1}]} {
    %mul3A = arith.constant 1 : i32
    %mul3A_0 = arith.muli %arg1, %mul3A : i32
    %add3A = arith.constant 0 : i32
    %add3A_1 = arith.addi %add3A, %mul3A_0 : i32
    %mul3A_2 = arith.constant 16 : i32
    %mul3A_3 = arith.muli %arg0, %mul3A_2 : i32
    %add3A_4 = arith.addi %add3A_1, %mul3A_3 : i32
    %mul3A_5 = arith.constant 104 : i32
    %mul3A_6 = arith.muli %add3A_4, %mul3A_5 : i32
    "tpu.region"() ({
      %run_scoped3A = memref.alloca() : memref<2x32x128xf32, #tpu.memory_space<vmem>>
      %run_scoped3A_7 = tpu.sem_alloc : memref<2x!tpu.dma_semaphore, #tpu.memory_space<semaphore_mem>>
      %run_scoped3A_8 = memref.alloca() : memref<2x32x8x16xf32, #tpu.memory_space<vmem>>
      %run_scoped3A_9 = tpu.sem_alloc : memref<2x!tpu.dma_semaphore, #tpu.memory_space<semaphore_mem>>
      %add3A_10 = arith.constant 0 : i32
      %add3A_11 = arith.addi %add3A_10, %mul3A_6 : i32
      %select_n3A = arith.constant true
      %select_n3A_12 = arith.constant 0 : i32
      %select_n3A_13 = arith.constant -1 : i32
      %select_n3A_14 = arith.select %select_n3A, %select_n3A_13, %select_n3A_12 : i32
      %eq3A = arith.constant -1 : i32
      %eq3A_15 = arith.cmpi eq, %select_n3A_14, %eq3A : i32
      %select_n3A_16 = arith.constant 103 : i32
      %select_n3A_17 = arith.select %eq3A_15, %select_n3A_16, %select_n3A_14 : i32
      %add3A_18 = arith.addi %select_n3A_17, %mul3A_6 : i32
      %select_n3A_19 = arith.constant true
      %select_n3A_20 = arith.constant 0 : i32
      %select_n3A_21 = arith.constant 1 : i32
      %select_n3A_22 = arith.select %select_n3A_19, %select_n3A_21, %select_n3A_20 : i32
      %eq3A_23 = arith.constant 104 : i32
      %eq3A_24 = arith.cmpi eq, %select_n3A_22, %eq3A_23 : i32
      %select_n3A_25 = arith.constant 0 : i32
      %select_n3A_26 = arith.select %eq3A_24, %select_n3A_25, %select_n3A_22 : i32
      %add3A_27 = arith.addi %select_n3A_26, %mul3A_6 : i32
      %add3A_28 = arith.constant 1 : i32
      %add3A_29 = arith.addi %select_n3A_26, %add3A_28 : i32
      %select_n3A_30 = arith.constant true
      %select_n3A_31 = arith.select %select_n3A_30, %add3A_29, %select_n3A_26 : i32
      %eq3A_32 = arith.constant 104 : i32
      %eq3A_33 = arith.cmpi eq, %select_n3A_31, %eq3A_32 : i32
      %select_n3A_34 = arith.constant 0 : i32
      %select_n3A_35 = arith.select %eq3A_33, %select_n3A_34, %select_n3A_31 : i32
      %add3A_36 = arith.addi %select_n3A_35, %mul3A_6 : i32
      "tpu.trace_start"() <{level = 10 : i32, message = "ep_initialize_0"}> : () -> ()
      %rem3A = arith.constant 0 : i32
      %rem3A_37 = arith.constant 2 : i32
      %rem3A_38 = arith.remui %rem3A, %rem3A_37 : i32
      %mul3A_39 = arith.constant 32 : i32
      %mul3A_40 = arith.muli %mul3A_39, %add3A_11 : i32
      %dma_start3A = arith.constant 0 : i32
      %dma_start3A_41 = arith.constant 0 : i32
      %dma_start3A_42 = tpu.memref_slice %run_scoped3A[%rem3A_38, %dma_start3A, %dma_start3A_41] : memref<2x32x128xf32, #tpu.memory_space<vmem>> -> memref<1x32x128xf32, #tpu.memory_space<vmem>>
      %dma_start3A_43 = tpu.memref_squeeze %dma_start3A_42 : memref<1x32x128xf32, #tpu.memory_space<vmem>> -> memref<32x128xf32, #tpu.memory_space<vmem>>
      %dma_start3A_44 = arith.constant 0 : i32
      %dma_start3A_45 = tpu.memref_slice %arg2[%mul3A_40, %dma_start3A_44] : memref<106496x128xf32, #tpu.memory_space<hbm>> -> memref<32x128xf32, #tpu.memory_space<hbm>>
      %dma_start3A_46 = tpu.memref_slice %run_scoped3A_7[%rem3A_38] : memref<2x!tpu.dma_semaphore, #tpu.memory_space<semaphore_mem>> -> memref<1x!tpu.dma_semaphore, #tpu.memory_space<semaphore_mem>>
      %dma_start3A_47 = tpu.memref_squeeze %dma_start3A_46 : memref<1x!tpu.dma_semaphore, #tpu.memory_space<semaphore_mem>> -> memref<!tpu.dma_semaphore, #tpu.memory_space<semaphore_mem>>
      %dma_start3A_48 = arith.constant 0 : i32
      %dma_start3A_49 = arith.constant 0 : i32
      %dma_start3A_50 = tpu.memref_slice %run_scoped3A[%rem3A_38, %dma_start3A_48, %dma_start3A_49] : memref<2x32x128xf32, #tpu.memory_space<vmem>> -> memref<1x32x128xf32, #tpu.memory_space<vmem>>
      %dma_start3A_51 = tpu.memref_squeeze %dma_start3A_50 : memref<1x32x128xf32, #tpu.memory_space<vmem>> -> memref<32x128xf32, #tpu.memory_space<vmem>>
      %dma_start3A_52 = arith.constant 0 : i32
      %dma_start3A_53 = tpu.memref_slice %arg2[%mul3A_40, %dma_start3A_52] : memref<106496x128xf32, #tpu.memory_space<hbm>> -> memref<32x128xf32, #tpu.memory_space<hbm>>
      tpu.enqueue_dma source(%dma_start3A_53 : memref<32x128xf32, #tpu.memory_space<hbm>>) target(%dma_start3A_51 : memref<32x128xf32, #tpu.memory_space<vmem>>) target_semaphore(%dma_start3A_47 : memref<!tpu.dma_semaphore, #tpu.memory_space<semaphore_mem>>)
      %add3A_54 = arith.constant 0 : i32
      %add3A_55 = arith.constant 1 : i32
      %add3A_56 = arith.addi %add3A_54, %add3A_55 : i32
      %select_n3A_57 = arith.constant true
      %select_n3A_58 = arith.constant 0 : i32
      %select_n3A_59 = arith.select %select_n3A_57, %add3A_56, %select_n3A_58 : i32
      "tpu.trace_stop"() : () -> ()
      %scan3A = arith.constant 0 : i32
      %scan3A_60 = arith.constant 0 : i32
      %scan3A_61 = arith.constant 0 : i32
      %scan3A_62 = arith.constant 0 : i32
      %scan3A_63 = arith.constant 0 : i32
      %scan3A_64 = arith.constant 104 : i32
      %scan3A_65 = arith.addi %scan3A_63, %scan3A_64 : i32
      %scan3A_66 = arith.constant 1 : i32
      %scan3A_67:5 = scf.for %scan3A_125 = %scan3A_63 to %scan3A_65 step %scan3A_66 iter_args(%scan3A_126 = %select_n3A_59, %scan3A_127 = %scan3A, %scan3A_128 = %scan3A_60, %scan3A_129 = %scan3A_61, %scan3A_130 = %scan3A_62) -> (i32, i32, i32, i32, i32)  : i32 {
        %eq3A_131 = arith.constant 0 : i32
        %eq3A_132 = arith.cmpi eq, %scan3A_125, %eq3A_131 : i32
        %eq3A_133 = arith.constant 103 : i32
        %eq3A_134 = arith.cmpi eq, %scan3A_125, %eq3A_133 : i32
        %add3A_135 = arith.addi %scan3A_130, %mul3A_6 : i32
        %sub3A_136 = arith.constant 1 : i32
        %sub3A_137 = arith.subi %scan3A_130, %sub3A_136 : i32
        %select_n3A_138 = arith.constant true
        %select_n3A_139 = arith.select %select_n3A_138, %sub3A_137, %scan3A_130 : i32
        %eq3A_140 = arith.constant -1 : i32
        %eq3A_141 = arith.cmpi eq, %select_n3A_139, %eq3A_140 : i32
        %select_n3A_142 = arith.constant 103 : i32
        %select_n3A_143 = arith.select %eq3A_141, %select_n3A_142, %select_n3A_139 : i32
        %add3A_144 = arith.addi %select_n3A_143, %mul3A_6 : i32
        %add3A_145 = arith.constant 1 : i32
        %add3A_146 = arith.addi %scan3A_130, %add3A_145 : i32
        %select_n3A_147 = arith.constant true
        %select_n3A_148 = arith.select %select_n3A_147, %add3A_146, %scan3A_130 : i32
        %eq3A_149 = arith.constant 104 : i32
        %eq3A_150 = arith.cmpi eq, %select_n3A_148, %eq3A_149 : i32
        %select_n3A_151 = arith.constant 0 : i32
        %select_n3A_152 = arith.select %eq3A_150, %select_n3A_151, %select_n3A_148 : i32
        %add3A_153 = arith.addi %select_n3A_152, %mul3A_6 : i32
        %add3A_154 = arith.constant 1 : i32
        %add3A_155 = arith.addi %select_n3A_152, %add3A_154 : i32
        %select_n3A_156 = arith.constant true
        %select_n3A_157 = arith.select %select_n3A_156, %add3A_155, %select_n3A_152 : i32
        %eq3A_158 = arith.constant 104 : i32
        %eq3A_159 = arith.cmpi eq, %select_n3A_157, %eq3A_158 : i32
        %select_n3A_160 = arith.constant 0 : i32
        %select_n3A_161 = arith.select %eq3A_159, %select_n3A_160, %select_n3A_157 : i32
        %add3A_162 = arith.addi %select_n3A_161, %mul3A_6 : i32
        %ne3A = arith.cmpi ne, %add3A_135, %add3A_153 : i32
        %or3A = arith.constant false
        %or3A_163 = arith.ori %or3A, %ne3A : i1
        %or3A_164 = arith.constant false
        %or3A_165 = arith.ori %or3A_163, %or3A_164 : i1
        %ge3A = arith.constant 103 : i32
        %ge3A_166 = arith.cmpi sge, %scan3A_125, %ge3A : i32
        %not3A = arith.constant true
        %not3A_167 = arith.xori %ge3A_166, %not3A : i1
        %and3A = arith.andi %or3A_165, %not3A_167 : i1
        %convert_element_type3A = arith.extui %and3A : i1 to i32
        %cond3A = arith.constant 0 : i32
        %cond3A_168 = arith.cmpi ne, %convert_element_type3A, %cond3A : i32
        scf.if %cond3A_168 {
          "tpu.trace_start"() <{level = 10 : i32, message = "ep_copy_in"}> : () -> ()
          %rem3A_290 = arith.constant 2 : i32
          %rem3A_291 = arith.remui %scan3A_126, %rem3A_290 : i32
          %mul3A_292 = arith.constant 32 : i32
          %mul3A_293 = arith.muli %mul3A_292, %add3A_153 : i32
          %dma_start3A_294 = arith.constant 0 : i32
          %dma_start3A_295 = arith.constant 0 : i32
          %dma_start3A_296 = tpu.memref_slice %run_scoped3A[%rem3A_291, %dma_start3A_294, %dma_start3A_295] : memref<2x32x128xf32, #tpu.memory_space<vmem>> -> memref<1x32x128xf32, #tpu.memory_space<vmem>>
          %dma_start3A_297 = tpu.memref_squeeze %dma_start3A_296 : memref<1x32x128xf32, #tpu.memory_space<vmem>> -> memref<32x128xf32, #tpu.memory_space<vmem>>
          %dma_start3A_298 = arith.constant 0 : i32
          %dma_start3A_299 = tpu.memref_slice %arg2[%mul3A_293, %dma_start3A_298] : memref<106496x128xf32, #tpu.memory_space<hbm>> -> memref<32x128xf32, #tpu.memory_space<hbm>>
          %dma_start3A_300 = tpu.memref_slice %run_scoped3A_7[%rem3A_291] : memref<2x!tpu.dma_semaphore, #tpu.memory_space<semaphore_mem>> -> memref<1x!tpu.dma_semaphore, #tpu.memory_space<semaphore_mem>>
          %dma_start3A_301 = tpu.memref_squeeze %dma_start3A_300 : memref<1x!tpu.dma_semaphore, #tpu.memory_space<semaphore_mem>> -> memref<!tpu.dma_semaphore, #tpu.memory_space<semaphore_mem>>
          %dma_start3A_302 = arith.constant 0 : i32
          %dma_start3A_303 = arith.constant 0 : i32
          %dma_start3A_304 = tpu.memref_slice %run_scoped3A[%rem3A_291, %dma_start3A_302, %dma_start3A_303] : memref<2x32x128xf32, #tpu.memory_space<vmem>> -> memref<1x32x128xf32, #tpu.memory_space<vmem>>
          %dma_start3A_305 = tpu.memref_squeeze %dma_start3A_304 : memref<1x32x128xf32, #tpu.memory_space<vmem>> -> memref<32x128xf32, #tpu.memory_space<vmem>>
          %dma_start3A_306 = arith.constant 0 : i32
          %dma_start3A_307 = tpu.memref_slice %arg2[%mul3A_293, %dma_start3A_306] : memref<106496x128xf32, #tpu.memory_space<hbm>> -> memref<32x128xf32, #tpu.memory_space<hbm>>
          tpu.enqueue_dma source(%dma_start3A_307 : memref<32x128xf32, #tpu.memory_space<hbm>>) target(%dma_start3A_305 : memref<32x128xf32, #tpu.memory_space<vmem>>) target_semaphore(%dma_start3A_301 : memref<!tpu.dma_semaphore, #tpu.memory_space<semaphore_mem>>)
          "tpu.trace_stop"() : () -> ()
        } else {
        }
        %and3A_169 = arith.constant true
        %and3A_170 = arith.andi %and3A, %and3A_169 : i1
        %add3A_171 = arith.constant 1 : i32
        %add3A_172 = arith.addi %scan3A_126, %add3A_171 : i32
        %select_n3A_173 = arith.select %and3A_170, %add3A_172, %scan3A_126 : i32
        %ne3A_174 = arith.cmpi ne, %add3A_135, %add3A_153 : i32
        %or3A_175 = arith.constant false
        %or3A_176 = arith.ori %or3A_175, %ne3A_174 : i1
        %or3A_177 = arith.constant false
        %or3A_178 = arith.ori %or3A_176, %or3A_177 : i1
        %or3A_179 = arith.constant false
        %or3A_180 = arith.ori %or3A_178, %or3A_179 : i1
        %ge3A_181 = arith.constant 103 : i32
        %ge3A_182 = arith.cmpi sge, %scan3A_125, %ge3A_181 : i32
        %not3A_183 = arith.constant true
        %not3A_184 = arith.xori %ge3A_182, %not3A_183 : i1
        %and3A_185 = arith.andi %or3A_180, %not3A_184 : i1
        %ne3A_186 = arith.cmpi ne, %add3A_135, %add3A_144 : i32
        %or3A_187 = arith.constant false
        %or3A_188 = arith.ori %or3A_187, %ne3A_186 : i1
        %or3A_189 = arith.constant false
        %or3A_190 = arith.ori %or3A_188, %or3A_189 : i1
        %or3A_191 = arith.ori %or3A_190, %eq3A_132 : i1
        %convert_element_type3A_192 = arith.extui %or3A_191 : i1 to i32
        %cond3A_193 = arith.constant 0 : i32
        %cond3A_194 = arith.cmpi ne, %convert_element_type3A_192, %cond3A_193 : i32
        scf.if %cond3A_194 {
          "tpu.trace_start"() <{level = 10 : i32, message = "ep_wait_in"}> : () -> ()
          %mul3A_290 = arith.constant 32 : i32
          %mul3A_291 = arith.muli %mul3A_290, %add3A_135 : i32
          %rem3A_292 = arith.constant 2 : i32
          %rem3A_293 = arith.remui %scan3A_127, %rem3A_292 : i32
          %dma_wait3A_294 = arith.constant 0 : i32
          %dma_wait3A_295 = arith.constant 0 : i32
          %dma_wait3A_296 = tpu.memref_slice %run_scoped3A[%rem3A_293, %dma_wait3A_294, %dma_wait3A_295] : memref<2x32x128xf32, #tpu.memory_space<vmem>> -> memref<1x32x128xf32, #tpu.memory_space<vmem>>
          %dma_wait3A_297 = tpu.memref_squeeze %dma_wait3A_296 : memref<1x32x128xf32, #tpu.memory_space<vmem>> -> memref<32x128xf32, #tpu.memory_space<vmem>>
          %dma_wait3A_298 = arith.constant 0 : i32
          %dma_wait3A_299 = tpu.memref_slice %arg2[%mul3A_291, %dma_wait3A_298] : memref<106496x128xf32, #tpu.memory_space<hbm>> -> memref<32x128xf32, #tpu.memory_space<hbm>>
          %dma_wait3A_300 = tpu.memref_slice %run_scoped3A_7[%rem3A_293] : memref<2x!tpu.dma_semaphore, #tpu.memory_space<semaphore_mem>> -> memref<1x!tpu.dma_semaphore, #tpu.memory_space<semaphore_mem>>
          %dma_wait3A_301 = tpu.memref_squeeze %dma_wait3A_300 : memref<1x!tpu.dma_semaphore, #tpu.memory_space<semaphore_mem>> -> memref<!tpu.dma_semaphore, #tpu.memory_space<semaphore_mem>>
          %dma_wait3A_302 = arith.constant 0 : i32
          %dma_wait3A_303 = arith.constant 0 : i32
          %dma_wait3A_304 = tpu.memref_slice %run_scoped3A[%rem3A_293, %dma_wait3A_302, %dma_wait3A_303] : memref<2x32x128xf32, #tpu.memory_space<vmem>> -> memref<1x32x128xf32, #tpu.memory_space<vmem>>
          %dma_wait3A_305 = tpu.memref_squeeze %dma_wait3A_304 : memref<1x32x128xf32, #tpu.memory_space<vmem>> -> memref<32x128xf32, #tpu.memory_space<vmem>>
          %dma_wait3A_306 = arith.constant 0 : i32
          %dma_wait3A_307 = tpu.memref_slice %arg2[%mul3A_291, %dma_wait3A_306] : memref<106496x128xf32, #tpu.memory_space<hbm>> -> memref<32x128xf32, #tpu.memory_space<hbm>>
          tpu.wait_dma2 semaphore(%dma_wait3A_301 : memref<!tpu.dma_semaphore, #tpu.memory_space<semaphore_mem>>) src(%dma_wait3A_307 : memref<32x128xf32, #tpu.memory_space<hbm>>) dst(%dma_wait3A_305 : memref<32x128xf32, #tpu.memory_space<vmem>>)
          "tpu.trace_stop"() : () -> ()
        } else {
        }
        %ne3A_195 = arith.cmpi ne, %add3A_135, %add3A_144 : i32
        %or3A_196 = arith.constant false
        %or3A_197 = arith.ori %or3A_196, %ne3A_195 : i1
        %or3A_198 = arith.constant false
        %or3A_199 = arith.ori %or3A_197, %or3A_198 : i1
        %or3A_200 = arith.constant false
        %or3A_201 = arith.ori %or3A_199, %or3A_200 : i1
        %or3A_202 = arith.ori %or3A_201, %eq3A_132 : i1
        %convert_element_type3A_203 = arith.extui %or3A_202 : i1 to i32
        %cond3A_204 = arith.constant 0 : i32
        %cond3A_205 = arith.cmpi ne, %convert_element_type3A_203, %cond3A_204 : i32
        scf.if %cond3A_205 {
        } else {
        }
        %rem3A_206 = arith.constant 2 : i32
        %rem3A_207 = arith.remui %scan3A_127, %rem3A_206 : i32
        %rem3A_208 = arith.constant 2 : i32
        %rem3A_209 = arith.remui %scan3A_128, %rem3A_208 : i32
        "tpu.trace_start"() <{level = 10 : i32, message = "ep_run_kernel"}> : () -> ()
        %scan3A_210 = arith.constant 0 : i32
        %scan3A_211 = arith.constant 8 : i32
        %scan3A_212 = arith.addi %scan3A_210, %scan3A_211 : i32
        %scan3A_213 = arith.constant 1 : i32
        scf.for %scan3A_290 = %scan3A_210 to %scan3A_212 step %scan3A_213  : i32 {
          %mul3A_291 = arith.constant 4 : i32
          %mul3A_292 = arith.muli %scan3A_290, %mul3A_291 : i32
          %add3A_293 = arith.constant 0 : i32
          %add3A_294 = arith.addi %add3A_293, %mul3A_292 : i32
          %add3A_295 = arith.constant 0 : i32
          %add3A_296 = arith.addi %add3A_294, %add3A_295 : i32
          %get3A = arith.constant 0 : i32
          %get3A_297 = arith.constant 0 : i32
          %get3A_298 = tpu.memref_slice %run_scoped3A[%rem3A_207, %get3A, %get3A_297] : memref<2x32x128xf32, #tpu.memory_space<vmem>> -> memref<1x32x128xf32, #tpu.memory_space<vmem>>
          %get3A_299 = tpu.memref_squeeze %get3A_298 : memref<1x32x128xf32, #tpu.memory_space<vmem>> -> memref<32x128xf32, #tpu.memory_space<vmem>>
          %get3A_300 = arith.index_cast %add3A_296 : i32 to index
          %get3A_301 = arith.constant 0 : index
          %get3A_302 = tpu.vector_load %get3A_299[%get3A_300, %get3A_301] {strides = array<i32>} : memref<32x128xf32, #tpu.memory_space<vmem>>, vector<1x16xf32>,
          %get3A_303 = vector.shape_cast %get3A_302 : vector<1x16xf32> to vector<16xf32>
          %add3A_304 = arith.constant 0 : i32
          %add3A_305 = arith.addi %add3A_294, %add3A_304 : i32
          %mul3A_306 = arith.constant 8 : i32
          %mul3A_307 = arith.muli %add3A_305, %mul3A_306 : i32
          %add3A_308 = arith.constant 0 : i32
          %add3A_309 = arith.addi %mul3A_307, %add3A_308 : i32
          %swap3A = arith.constant 0 : i32
          %swap3A_310 = arith.constant 0 : i32
          %swap3A_311 = arith.constant 0 : i32
          %swap3A_312 = tpu.memref_slice %run_scoped3A_8[%rem3A_209, %swap3A, %swap3A_310, %swap3A_311] : memref<2x32x8x16xf32, #tpu.memory_space<vmem>> -> memref<1x32x8x16xf32, #tpu.memory_space<vmem>>
          %swap3A_313 = tpu.memref_squeeze %swap3A_312 : memref<1x32x8x16xf32, #tpu.memory_space<vmem>> -> memref<32x8x16xf32, #tpu.memory_space<vmem>>
          %swap3A_314 = tpu.memref_reshape %swap3A_313 : memref<32x8x16xf32, #tpu.memory_space<vmem>> -> memref<256x16xf32, #tpu.memory_space<vmem>>
          %swap3A_315 = arith.index_cast %add3A_309 : i32 to index
          %swap3A_316 = arith.constant 0 : index
          %swap3A_317 = tpu.vector_load %swap3A_314[%swap3A_315, %swap3A_316] {strides = array<i32>} : memref<256x16xf32, #tpu.memory_space<vmem>>, vector<1x16xf32>,
          %swap3A_318 = vector.shape_cast %swap3A_317 : vector<1x16xf32> to vector<16xf32>
          %swap3A_319 = vector.shape_cast %get3A_303 : vector<16xf32> to vector<1x16xf32>
          tpu.vector_store %swap3A_314[%swap3A_315, %swap3A_316], %swap3A_319 {strides = array<i32>} : memref<256x16xf32, #tpu.memory_space<vmem>>, vector<1x16xf32>,
          %add3A_320 = arith.constant 0 : i32
          %add3A_321 = arith.addi %add3A_294, %add3A_320 : i32
          %get3A_322 = arith.constant 0 : i32
          %get3A_323 = arith.constant 0 : i32
          %get3A_324 = tpu.memref_slice %run_scoped3A[%rem3A_207, %get3A_322, %get3A_323] : memref<2x32x128xf32, #tpu.memory_space<vmem>> -> memref<1x32x128xf32, #tpu.memory_space<vmem>>
          %get3A_325 = tpu.memref_squeeze %get3A_324 : memref<1x32x128xf32, #tpu.memory_space<vmem>> -> memref<32x128xf32, #tpu.memory_space<vmem>>
          %get3A_326 = arith.index_cast %add3A_321 : i32 to index
          %get3A_327 = arith.constant 16 : index
          %get3A_328 = tpu.vector_load %get3A_325[%get3A_326, %get3A_327] {strides = array<i32>} : memref<32x128xf32, #tpu.memory_space<vmem>>, vector<1x16xf32>,
          %get3A_329 = vector.shape_cast %get3A_328 : vector<1x16xf32> to vector<16xf32>
          %add3A_330 = arith.constant 0 : i32
          %add3A_331 = arith.addi %add3A_294, %add3A_330 : i32
          %mul3A_332 = arith.constant 8 : i32
          %mul3A_333 = arith.muli %add3A_331, %mul3A_332 : i32
          %add3A_334 = arith.constant 1 : i32
          %add3A_335 = arith.addi %mul3A_333, %add3A_334 : i32
          %swap3A_336 = arith.constant 0 : i32
          %swap3A_337 = arith.constant 0 : i32
          %swap3A_338 = arith.constant 0 : i32
          %swap3A_339 = tpu.memref_slice %run_scoped3A_8[%rem3A_209, %swap3A_336, %swap3A_337, %swap3A_338] : memref<2x32x8x16xf32, #tpu.memory_space<vmem>> -> memref<1x32x8x16xf32, #tpu.memory_space<vmem>>
          %swap3A_340 = tpu.memref_squeeze %swap3A_339 : memref<1x32x8x16xf32, #tpu.memory_space<vmem>> -> memref<32x8x16xf32, #tpu.memory_space<vmem>>
          %swap3A_341 = tpu.memref_reshape %swap3A_340 : memref<32x8x16xf32, #tpu.memory_space<vmem>> -> memref<256x16xf32, #tpu.memory_space<vmem>>
          %swap3A_342 = arith.index_cast %add3A_335 : i32 to index
          %swap3A_343 = arith.constant 0 : index
          %swap3A_344 = tpu.vector_load %swap3A_341[%swap3A_342, %swap3A_343] {strides = array<i32>} : memref<256x16xf32, #tpu.memory_space<vmem>>, vector<1x16xf32>,
          %swap3A_345 = vector.shape_cast %swap3A_344 : vector<1x16xf32> to vector<16xf32>
          %swap3A_346 = vector.shape_cast %get3A_329 : vector<16xf32> to vector<1x16xf32>
          tpu.vector_store %swap3A_341[%swap3A_342, %swap3A_343], %swap3A_346 {strides = array<i32>} : memref<256x16xf32, #tpu.memory_space<vmem>>, vector<1x16xf32>,
          %add3A_347 = arith.constant 0 : i32
          %add3A_348 = arith.addi %add3A_294, %add3A_347 : i32
          %get3A_349 = arith.constant 0 : i32
          %get3A_350 = arith.constant 0 : i32
          %get3A_351 = tpu.memref_slice %run_scoped3A[%rem3A_207, %get3A_349, %get3A_350] : memref<2x32x128xf32, #tpu.memory_space<vmem>> -> memref<1x32x128xf32, #tpu.memory_space<vmem>>
          %get3A_352 = tpu.memref_squeeze %get3A_351 : memref<1x32x128xf32, #tpu.memory_space<vmem>> -> memref<32x128xf32, #tpu.memory_space<vmem>>
          %get3A_353 = arith.index_cast %add3A_348 : i32 to index
          %get3A_354 = arith.constant 32 : index
          %get3A_355 = tpu.vector_load %get3A_352[%get3A_353, %get3A_354] {strides = array<i32>} : memref<32x128xf32, #tpu.memory_space<vmem>>, vector<1x16xf32>,
          %get3A_356 = vector.shape_cast %get3A_355 : vector<1x16xf32> to vector<16xf32>
          %add3A_357 = arith.constant 0 : i32
          %add3A_358 = arith.addi %add3A_294, %add3A_357 : i32
          %mul3A_359 = arith.constant 8 : i32
          %mul3A_360 = arith.muli %add3A_358, %mul3A_359 : i32
          %add3A_361 = arith.constant 2 : i32
          %add3A_362 = arith.addi %mul3A_360, %add3A_361 : i32
          %swap3A_363 = arith.constant 0 : i32
          %swap3A_364 = arith.constant 0 : i32
          %swap3A_365 = arith.constant 0 : i32
          %swap3A_366 = tpu.memref_slice %run_scoped3A_8[%rem3A_209, %swap3A_363, %swap3A_364, %swap3A_365] : memref<2x32x8x16xf32, #tpu.memory_space<vmem>> -> memref<1x32x8x16xf32, #tpu.memory_space<vmem>>
          %swap3A_367 = tpu.memref_squeeze %swap3A_366 : memref<1x32x8x16xf32, #tpu.memory_space<vmem>> -> memref<32x8x16xf32, #tpu.memory_space<vmem>>
          %swap3A_368 = tpu.memref_reshape %swap3A_367 : memref<32x8x16xf32, #tpu.memory_space<vmem>> -> memref<256x16xf32, #tpu.memory_space<vmem>>
          %swap3A_369 = arith.index_cast %add3A_362 : i32 to index
          %swap3A_370 = arith.constant 0 : index
          %swap3A_371 = tpu.vector_load %swap3A_368[%swap3A_369, %swap3A_370] {strides = array<i32>} : memref<256x16xf32, #tpu.memory_space<vmem>>, vector<1x16xf32>,
          %swap3A_372 = vector.shape_cast %swap3A_371 : vector<1x16xf32> to vector<16xf32>
          %swap3A_373 = vector.shape_cast %get3A_356 : vector<16xf32> to vector<1x16xf32>
          tpu.vector_store %swap3A_368[%swap3A_369, %swap3A_370], %swap3A_373 {strides = array<i32>} : memref<256x16xf32, #tpu.memory_space<vmem>>, vector<1x16xf32>,
          %add3A_374 = arith.constant 0 : i32
          %add3A_375 = arith.addi %add3A_294, %add3A_374 : i32
          %get3A_376 = arith.constant 0 : i32
          %get3A_377 = arith.constant 0 : i32
          %get3A_378 = tpu.memref_slice %run_scoped3A[%rem3A_207, %get3A_376, %get3A_377] : memref<2x32x128xf32, #tpu.memory_space<vmem>> -> memref<1x32x128xf32, #tpu.memory_space<vmem>>
          %get3A_379 = tpu.memref_squeeze %get3A_378 : memref<1x32x128xf32, #tpu.memory_space<vmem>> -> memref<32x128xf32, #tpu.memory_space<vmem>>
          %get3A_380 = arith.index_cast %add3A_375 : i32 to index
          %get3A_381 = arith.constant 48 : index
          %get3A_382 = tpu.vector_load %get3A_379[%get3A_380, %get3A_381] {strides = array<i32>} : memref<32x128xf32, #tpu.memory_space<vmem>>, vector<1x16xf32>,
          %get3A_383 = vector.shape_cast %get3A_382 : vector<1x16xf32> to vector<16xf32>
          %add3A_384 = arith.constant 0 : i32
          %add3A_385 = arith.addi %add3A_294, %add3A_384 : i32
          %mul3A_386 = arith.constant 8 : i32
          %mul3A_387 = arith.muli %add3A_385, %mul3A_386 : i32
          %add3A_388 = arith.constant 3 : i32
          %add3A_389 = arith.addi %mul3A_387, %add3A_388 : i32
          %swap3A_390 = arith.constant 0 : i32
          %swap3A_391 = arith.constant 0 : i32
          %swap3A_392 = arith.constant 0 : i32
          %swap3A_393 = tpu.memref_slice %run_scoped3A_8[%rem3A_209, %swap3A_390, %swap3A_391, %swap3A_392] : memref<2x32x8x16xf32, #tpu.memory_space<vmem>> -> memref<1x32x8x16xf32, #tpu.memory_space<vmem>>
          %swap3A_394 = tpu.memref_squeeze %swap3A_393 : memref<1x32x8x16xf32, #tpu.memory_space<vmem>> -> memref<32x8x16xf32, #tpu.memory_space<vmem>>
          %swap3A_395 = tpu.memref_reshape %swap3A_394 : memref<32x8x16xf32, #tpu.memory_space<vmem>> -> memref<256x16xf32, #tpu.memory_space<vmem>>
          %swap3A_396 = arith.index_cast %add3A_389 : i32 to index
          %swap3A_397 = arith.constant 0 : index
          %swap3A_398 = tpu.vector_load %swap3A_395[%swap3A_396, %swap3A_397] {strides = array<i32>} : memref<256x16xf32, #tpu.memory_space<vmem>>, vector<1x16xf32>,
          %swap3A_399 = vector.shape_cast %swap3A_398 : vector<1x16xf32> to vector<16xf32>
          %swap3A_400 = vector.shape_cast %get3A_383 : vector<16xf32> to vector<1x16xf32>
          tpu.vector_store %swap3A_395[%swap3A_396, %swap3A_397], %swap3A_400 {strides = array<i32>} : memref<256x16xf32, #tpu.memory_space<vmem>>, vector<1x16xf32>,
          %add3A_401 = arith.constant 0 : i32
          %add3A_402 = arith.addi %add3A_294, %add3A_401 : i32
          %get3A_403 = arith.constant 0 : i32
          %get3A_404 = arith.constant 0 : i32
          %get3A_405 = tpu.memref_slice %run_scoped3A[%rem3A_207, %get3A_403, %get3A_404] : memref<2x32x128xf32, #tpu.memory_space<vmem>> -> memref<1x32x128xf32, #tpu.memory_space<vmem>>
          %get3A_406 = tpu.memref_squeeze %get3A_405 : memref<1x32x128xf32, #tpu.memory_space<vmem>> -> memref<32x128xf32, #tpu.memory_space<vmem>>
          %get3A_407 = arith.index_cast %add3A_402 : i32 to index
          %get3A_408 = arith.constant 64 : index
          %get3A_409 = tpu.vector_load %get3A_406[%get3A_407, %get3A_408] {strides = array<i32>} : memref<32x128xf32, #tpu.memory_space<vmem>>, vector<1x16xf32>,
          %get3A_410 = vector.shape_cast %get3A_409 : vector<1x16xf32> to vector<16xf32>
          %add3A_411 = arith.constant 0 : i32
          %add3A_412 = arith.addi %add3A_294, %add3A_411 : i32
          %mul3A_413 = arith.constant 8 : i32
          %mul3A_414 = arith.muli %add3A_412, %mul3A_413 : i32
          %add3A_415 = arith.constant 4 : i32
          %add3A_416 = arith.addi %mul3A_414, %add3A_415 : i32
          %swap3A_417 = arith.constant 0 : i32
          %swap3A_418 = arith.constant 0 : i32
          %swap3A_419 = arith.constant 0 : i32
          %swap3A_420 = tpu.memref_slice %run_scoped3A_8[%rem3A_209, %swap3A_417, %swap3A_418, %swap3A_419] : memref<2x32x8x16xf32, #tpu.memory_space<vmem>> -> memref<1x32x8x16xf32, #tpu.memory_space<vmem>>
          %swap3A_421 = tpu.memref_squeeze %swap3A_420 : memref<1x32x8x16xf32, #tpu.memory_space<vmem>> -> memref<32x8x16xf32, #tpu.memory_space<vmem>>
          %swap3A_422 = tpu.memref_reshape %swap3A_421 : memref<32x8x16xf32, #tpu.memory_space<vmem>> -> memref<256x16xf32, #tpu.memory_space<vmem>>
          %swap3A_423 = arith.index_cast %add3A_416 : i32 to index
          %swap3A_424 = arith.constant 0 : index
          %swap3A_425 = tpu.vector_load %swap3A_422[%swap3A_423, %swap3A_424] {strides = array<i32>} : memref<256x16xf32, #tpu.memory_space<vmem>>, vector<1x16xf32>,
          %swap3A_426 = vector.shape_cast %swap3A_425 : vector<1x16xf32> to vector<16xf32>
          %swap3A_427 = vector.shape_cast %get3A_410 : vector<16xf32> to vector<1x16xf32>
          tpu.vector_store %swap3A_422[%swap3A_423, %swap3A_424], %swap3A_427 {strides = array<i32>} : memref<256x16xf32, #tpu.memory_space<vmem>>, vector<1x16xf32>,
          %add3A_428 = arith.constant 0 : i32
          %add3A_429 = arith.addi %add3A_294, %add3A_428 : i32
          %get3A_430 = arith.constant 0 : i32
          %get3A_431 = arith.constant 0 : i32
          %get3A_432 = tpu.memref_slice %run_scoped3A[%rem3A_207, %get3A_430, %get3A_431] : memref<2x32x128xf32, #tpu.memory_space<vmem>> -> memref<1x32x128xf32, #tpu.memory_space<vmem>>
          %get3A_433 = tpu.memref_squeeze %get3A_432 : memref<1x32x128xf32, #tpu.memory_space<vmem>> -> memref<32x128xf32, #tpu.memory_space<vmem>>
          %get3A_434 = arith.index_cast %add3A_429 : i32 to index
          %get3A_435 = arith.constant 80 : index
          %get3A_436 = tpu.vector_load %get3A_433[%get3A_434, %get3A_435] {strides = array<i32>} : memref<32x128xf32, #tpu.memory_space<vmem>>, vector<1x16xf32>,
          %get3A_437 = vector.shape_cast %get3A_436 : vector<1x16xf32> to vector<16xf32>
          %add3A_438 = arith.constant 0 : i32
          %add3A_439 = arith.addi %add3A_294, %add3A_438 : i32
          %mul3A_440 = arith.constant 8 : i32
          %mul3A_441 = arith.muli %add3A_439, %mul3A_440 : i32
          %add3A_442 = arith.constant 5 : i32
          %add3A_443 = arith.addi %mul3A_441, %add3A_442 : i32
          %swap3A_444 = arith.constant 0 : i32
          %swap3A_445 = arith.constant 0 : i32
          %swap3A_446 = arith.constant 0 : i32
          %swap3A_447 = tpu.memref_slice %run_scoped3A_8[%rem3A_209, %swap3A_444, %swap3A_445, %swap3A_446] : memref<2x32x8x16xf32, #tpu.memory_space<vmem>> -> memref<1x32x8x16xf32, #tpu.memory_space<vmem>>
          %swap3A_448 = tpu.memref_squeeze %swap3A_447 : memref<1x32x8x16xf32, #tpu.memory_space<vmem>> -> memref<32x8x16xf32, #tpu.memory_space<vmem>>
          %swap3A_449 = tpu.memref_reshape %swap3A_448 : memref<32x8x16xf32, #tpu.memory_space<vmem>> -> memref<256x16xf32, #tpu.memory_space<vmem>>
          %swap3A_450 = arith.index_cast %add3A_443 : i32 to index
          %swap3A_451 = arith.constant 0 : index
          %swap3A_452 = tpu.vector_load %swap3A_449[%swap3A_450, %swap3A_451] {strides = array<i32>} : memref<256x16xf32, #tpu.memory_space<vmem>>, vector<1x16xf32>,
          %swap3A_453 = vector.shape_cast %swap3A_452 : vector<1x16xf32> to vector<16xf32>
          %swap3A_454 = vector.shape_cast %get3A_437 : vector<16xf32> to vector<1x16xf32>
          tpu.vector_store %swap3A_449[%swap3A_450, %swap3A_451], %swap3A_454 {strides = array<i32>} : memref<256x16xf32, #tpu.memory_space<vmem>>, vector<1x16xf32>,
          %add3A_455 = arith.constant 0 : i32
          %add3A_456 = arith.addi %add3A_294, %add3A_455 : i32
          %get3A_457 = arith.constant 0 : i32
          %get3A_458 = arith.constant 0 : i32
          %get3A_459 = tpu.memref_slice %run_scoped3A[%rem3A_207, %get3A_457, %get3A_458] : memref<2x32x128xf32, #tpu.memory_space<vmem>> -> memref<1x32x128xf32, #tpu.memory_space<vmem>>
          %get3A_460 = tpu.memref_squeeze %get3A_459 : memref<1x32x128xf32, #tpu.memory_space<vmem>> -> memref<32x128xf32, #tpu.memory_space<vmem>>
          %get3A_461 = arith.index_cast %add3A_456 : i32 to index
          %get3A_462 = arith.constant 96 : index
          %get3A_463 = tpu.vector_load %get3A_460[%get3A_461, %get3A_462] {strides = array<i32>} : memref<32x128xf32, #tpu.memory_space<vmem>>, vector<1x16xf32>,
          %get3A_464 = vector.shape_cast %get3A_463 : vector<1x16xf32> to vector<16xf32>
          %add3A_465 = arith.constant 0 : i32
          %add3A_466 = arith.addi %add3A_294, %add3A_465 : i32
          %mul3A_467 = arith.constant 8 : i32
          %mul3A_468 = arith.muli %add3A_466, %mul3A_467 : i32
          %add3A_469 = arith.constant 6 : i32
          %add3A_470 = arith.addi %mul3A_468, %add3A_469 : i32
          %swap3A_471 = arith.constant 0 : i32
          %swap3A_472 = arith.constant 0 : i32
          %swap3A_473 = arith.constant 0 : i32
          %swap3A_474 = tpu.memref_slice %run_scoped3A_8[%rem3A_209, %swap3A_471, %swap3A_472, %swap3A_473] : memref<2x32x8x16xf32, #tpu.memory_space<vmem>> -> memref<1x32x8x16xf32, #tpu.memory_space<vmem>>
          %swap3A_475 = tpu.memref_squeeze %swap3A_474 : memref<1x32x8x16xf32, #tpu.memory_space<vmem>> -> memref<32x8x16xf32, #tpu.memory_space<vmem>>
          %swap3A_476 = tpu.memref_reshape %swap3A_475 : memref<32x8x16xf32, #tpu.memory_space<vmem>> -> memref<256x16xf32, #tpu.memory_space<vmem>>
          %swap3A_477 = arith.index_cast %add3A_470 : i32 to index
          %swap3A_478 = arith.constant 0 : index
          %swap3A_479 = tpu.vector_load %swap3A_476[%swap3A_477, %swap3A_478] {strides = array<i32>} : memref<256x16xf32, #tpu.memory_space<vmem>>, vector<1x16xf32>,
          %swap3A_480 = vector.shape_cast %swap3A_479 : vector<1x16xf32> to vector<16xf32>
          %swap3A_481 = vector.shape_cast %get3A_464 : vector<16xf32> to vector<1x16xf32>
          tpu.vector_store %swap3A_476[%swap3A_477, %swap3A_478], %swap3A_481 {strides = array<i32>} : memref<256x16xf32, #tpu.memory_space<vmem>>, vector<1x16xf32>,
          %add3A_482 = arith.constant 0 : i32
          %add3A_483 = arith.addi %add3A_294, %add3A_482 : i32
          %get3A_484 = arith.constant 0 : i32
          %get3A_485 = arith.constant 0 : i32
          %get3A_486 = tpu.memref_slice %run_scoped3A[%rem3A_207, %get3A_484, %get3A_485] : memref<2x32x128xf32, #tpu.memory_space<vmem>> -> memref<1x32x128xf32, #tpu.memory_space<vmem>>
          %get3A_487 = tpu.memref_squeeze %get3A_486 : memref<1x32x128xf32, #tpu.memory_space<vmem>> -> memref<32x128xf32, #tpu.memory_space<vmem>>
          %get3A_488 = arith.index_cast %add3A_483 : i32 to index
          %get3A_489 = arith.constant 112 : index
          %get3A_490 = tpu.vector_load %get3A_487[%get3A_488, %get3A_489] {strides = array<i32>} : memref<32x128xf32, #tpu.memory_space<vmem>>, vector<1x16xf32>,
          %get3A_491 = vector.shape_cast %get3A_490 : vector<1x16xf32> to vector<16xf32>
          %add3A_492 = arith.constant 0 : i32
          %add3A_493 = arith.addi %add3A_294, %add3A_492 : i32
          %mul3A_494 = arith.constant 8 : i32
          %mul3A_495 = arith.muli %add3A_493, %mul3A_494 : i32
          %add3A_496 = arith.constant 7 : i32
          %add3A_497 = arith.addi %mul3A_495, %add3A_496 : i32
          %swap3A_498 = arith.constant 0 : i32
          %swap3A_499 = arith.constant 0 : i32
          %swap3A_500 = arith.constant 0 : i32
          %swap3A_501 = tpu.memref_slice %run_scoped3A_8[%rem3A_209, %swap3A_498, %swap3A_499, %swap3A_500] : memref<2x32x8x16xf32, #tpu.memory_space<vmem>> -> memref<1x32x8x16xf32, #tpu.memory_space<vmem>>
          %swap3A_502 = tpu.memref_squeeze %swap3A_501 : memref<1x32x8x16xf32, #tpu.memory_space<vmem>> -> memref<32x8x16xf32, #tpu.memory_space<vmem>>
          %swap3A_503 = tpu.memref_reshape %swap3A_502 : memref<32x8x16xf32, #tpu.memory_space<vmem>> -> memref<256x16xf32, #tpu.memory_space<vmem>>
          %swap3A_504 = arith.index_cast %add3A_497 : i32 to index
          %swap3A_505 = arith.constant 0 : index
          %swap3A_506 = tpu.vector_load %swap3A_503[%swap3A_504, %swap3A_505] {strides = array<i32>} : memref<256x16xf32, #tpu.memory_space<vmem>>, vector<1x16xf32>,
          %swap3A_507 = vector.shape_cast %swap3A_506 : vector<1x16xf32> to vector<16xf32>
          %swap3A_508 = vector.shape_cast %get3A_491 : vector<16xf32> to vector<1x16xf32>
          tpu.vector_store %swap3A_503[%swap3A_504, %swap3A_505], %swap3A_508 {strides = array<i32>} : memref<256x16xf32, #tpu.memory_space<vmem>>, vector<1x16xf32>,
          %add3A_509 = arith.constant 1 : i32
          %add3A_510 = arith.addi %add3A_294, %add3A_509 : i32
          %get3A_511 = arith.constant 0 : i32
          %get3A_512 = arith.constant 0 : i32
          %get3A_513 = tpu.memref_slice %run_scoped3A[%rem3A_207, %get3A_511, %get3A_512] : memref<2x32x128xf32, #tpu.memory_space<vmem>> -> memref<1x32x128xf32, #tpu.memory_space<vmem>>
          %get3A_514 = tpu.memref_squeeze %get3A_513 : memref<1x32x128xf32, #tpu.memory_space<vmem>> -> memref<32x128xf32, #tpu.memory_space<vmem>>
          %get3A_515 = arith.index_cast %add3A_510 : i32 to index
          %get3A_516 = arith.constant 0 : index
          %get3A_517 = tpu.vector_load %get3A_514[%get3A_515, %get3A_516] {strides = array<i32>} : memref<32x128xf32, #tpu.memory_space<vmem>>, vector<1x16xf32>,
          %get3A_518 = vector.shape_cast %get3A_517 : vector<1x16xf32> to vector<16xf32>
          %add3A_519 = arith.constant 1 : i32
          %add3A_520 = arith.addi %add3A_294, %add3A_519 : i32
          %mul3A_521 = arith.constant 8 : i32
          %mul3A_522 = arith.muli %add3A_520, %mul3A_521 : i32
          %add3A_523 = arith.constant 0 : i32
          %add3A_524 = arith.addi %mul3A_522, %add3A_523 : i32
          %swap3A_525 = arith.constant 0 : i32
          %swap3A_526 = arith.constant 0 : i32
          %swap3A_527 = arith.constant 0 : i32
          %swap3A_528 = tpu.memref_slice %run_scoped3A_8[%rem3A_209, %swap3A_525, %swap3A_526, %swap3A_527] : memref<2x32x8x16xf32, #tpu.memory_space<vmem>> -> memref<1x32x8x16xf32, #tpu.memory_space<vmem>>
          %swap3A_529 = tpu.memref_squeeze %swap3A_528 : memref<1x32x8x16xf32, #tpu.memory_space<vmem>> -> memref<32x8x16xf32, #tpu.memory_space<vmem>>
          %swap3A_530 = tpu.memref_reshape %swap3A_529 : memref<32x8x16xf32, #tpu.memory_space<vmem>> -> memref<256x16xf32, #tpu.memory_space<vmem>>
          %swap3A_531 = arith.index_cast %add3A_524 : i32 to index
          %swap3A_532 = arith.constant 0 : index
          %swap3A_533 = tpu.vector_load %swap3A_530[%swap3A_531, %swap3A_532] {strides = array<i32>} : memref<256x16xf32, #tpu.memory_space<vmem>>, vector<1x16xf32>,
          %swap3A_534 = vector.shape_cast %swap3A_533 : vector<1x16xf32> to vector<16xf32>
          %swap3A_535 = vector.shape_cast %get3A_518 : vector<16xf32> to vector<1x16xf32>
          tpu.vector_store %swap3A_530[%swap3A_531, %swap3A_532], %swap3A_535 {strides = array<i32>} : memref<256x16xf32, #tpu.memory_space<vmem>>, vector<1x16xf32>,
          %add3A_536 = arith.constant 1 : i32
          %add3A_537 = arith.addi %add3A_294, %add3A_536 : i32
          %get3A_538 = arith.constant 0 : i32
          %get3A_539 = arith.constant 0 : i32
          %get3A_540 = tpu.memref_slice %run_scoped3A[%rem3A_207, %get3A_538, %get3A_539] : memref<2x32x128xf32, #tpu.memory_space<vmem>> -> memref<1x32x128xf32, #tpu.memory_space<vmem>>
          %get3A_541 = tpu.memref_squeeze %get3A_540 : memref<1x32x128xf32, #tpu.memory_space<vmem>> -> memref<32x128xf32, #tpu.memory_space<vmem>>
          %get3A_542 = arith.index_cast %add3A_537 : i32 to index
          %get3A_543 = arith.constant 16 : index
          %get3A_544 = tpu.vector_load %get3A_541[%get3A_542, %get3A_543] {strides = array<i32>} : memref<32x128xf32, #tpu.memory_space<vmem>>, vector<1x16xf32>,
          %get3A_545 = vector.shape_cast %get3A_544 : vector<1x16xf32> to vector<16xf32>
          %add3A_546 = arith.constant 1 : i32
          %add3A_547 = arith.addi %add3A_294, %add3A_546 : i32
          %mul3A_548 = arith.constant 8 : i32
          %mul3A_549 = arith.muli %add3A_547, %mul3A_548 : i32
          %add3A_550 = arith.constant 1 : i32
          %add3A_551 = arith.addi %mul3A_549, %add3A_550 : i32
          %swap3A_552 = arith.constant 0 : i32
          %swap3A_553 = arith.constant 0 : i32
          %swap3A_554 = arith.constant 0 : i32
          %swap3A_555 = tpu.memref_slice %run_scoped3A_8[%rem3A_209, %swap3A_552, %swap3A_553, %swap3A_554] : memref<2x32x8x16xf32, #tpu.memory_space<vmem>> -> memref<1x32x8x16xf32, #tpu.memory_space<vmem>>
          %swap3A_556 = tpu.memref_squeeze %swap3A_555 : memref<1x32x8x16xf32, #tpu.memory_space<vmem>> -> memref<32x8x16xf32, #tpu.memory_space<vmem>>
          %swap3A_557 = tpu.memref_reshape %swap3A_556 : memref<32x8x16xf32, #tpu.memory_space<vmem>> -> memref<256x16xf32, #tpu.memory_space<vmem>>
          %swap3A_558 = arith.index_cast %add3A_551 : i32 to index
          %swap3A_559 = arith.constant 0 : index
          %swap3A_560 = tpu.vector_load %swap3A_557[%swap3A_558, %swap3A_559] {strides = array<i32>} : memref<256x16xf32, #tpu.memory_space<vmem>>, vector<1x16xf32>,
          %swap3A_561 = vector.shape_cast %swap3A_560 : vector<1x16xf32> to vector<16xf32>
          %swap3A_562 = vector.shape_cast %get3A_545 : vector<16xf32> to vector<1x16xf32>
          tpu.vector_store %swap3A_557[%swap3A_558, %swap3A_559], %swap3A_562 {strides = array<i32>} : memref<256x16xf32, #tpu.memory_space<vmem>>, vector<1x16xf32>,
          %add3A_563 = arith.constant 1 : i32
          %add3A_564 = arith.addi %add3A_294, %add3A_563 : i32
          %get3A_565 = arith.constant 0 : i32
          %get3A_566 = arith.constant 0 : i32
          %get3A_567 = tpu.memref_slice %run_scoped3A[%rem3A_207, %get3A_565, %get3A_566] : memref<2x32x128xf32, #tpu.memory_space<vmem>> -> memref<1x32x128xf32, #tpu.memory_space<vmem>>
          %get3A_568 = tpu.memref_squeeze %get3A_567 : memref<1x32x128xf32, #tpu.memory_space<vmem>> -> memref<32x128xf32, #tpu.memory_space<vmem>>
          %get3A_569 = arith.index_cast %add3A_564 : i32 to index
          %get3A_570 = arith.constant 32 : index
          %get3A_571 = tpu.vector_load %get3A_568[%get3A_569, %get3A_570] {strides = array<i32>} : memref<32x128xf32, #tpu.memory_space<vmem>>, vector<1x16xf32>,
          %get3A_572 = vector.shape_cast %get3A_571 : vector<1x16xf32> to vector<16xf32>
          %add3A_573 = arith.constant 1 : i32
          %add3A_574 = arith.addi %add3A_294, %add3A_573 : i32
          %mul3A_575 = arith.constant 8 : i32
          %mul3A_576 = arith.muli %add3A_574, %mul3A_575 : i32
          %add3A_577 = arith.constant 2 : i32
          %add3A_578 = arith.addi %mul3A_576, %add3A_577 : i32
          %swap3A_579 = arith.constant 0 : i32
          %swap3A_580 = arith.constant 0 : i32
          %swap3A_581 = arith.constant 0 : i32
          %swap3A_582 = tpu.memref_slice %run_scoped3A_8[%rem3A_209, %swap3A_579, %swap3A_580, %swap3A_581] : memref<2x32x8x16xf32, #tpu.memory_space<vmem>> -> memref<1x32x8x16xf32, #tpu.memory_space<vmem>>
          %swap3A_583 = tpu.memref_squeeze %swap3A_582 : memref<1x32x8x16xf32, #tpu.memory_space<vmem>> -> memref<32x8x16xf32, #tpu.memory_space<vmem>>
          %swap3A_584 = tpu.memref_reshape %swap3A_583 : memref<32x8x16xf32, #tpu.memory_space<vmem>> -> memref<256x16xf32, #tpu.memory_space<vmem>>
          %swap3A_585 = arith.index_cast %add3A_578 : i32 to index
          %swap3A_586 = arith.constant 0 : index
          %swap3A_587 = tpu.vector_load %swap3A_584[%swap3A_585, %swap3A_586] {strides = array<i32>} : memref<256x16xf32, #tpu.memory_space<vmem>>, vector<1x16xf32>,
          %swap3A_588 = vector.shape_cast %swap3A_587 : vector<1x16xf32> to vector<16xf32>
          %swap3A_589 = vector.shape_cast %get3A_572 : vector<16xf32> to vector<1x16xf32>
          tpu.vector_store %swap3A_584[%swap3A_585, %swap3A_586], %swap3A_589 {strides = array<i32>} : memref<256x16xf32, #tpu.memory_space<vmem>>, vector<1x16xf32>,
          %add3A_590 = arith.constant 1 : i32
          %add3A_591 = arith.addi %add3A_294, %add3A_590 : i32
          %get3A_592 = arith.constant 0 : i32
          %get3A_593 = arith.constant 0 : i32
          %get3A_594 = tpu.memref_slice %run_scoped3A[%rem3A_207, %get3A_592, %get3A_593] : memref<2x32x128xf32, #tpu.memory_space<vmem>> -> memref<1x32x128xf32, #tpu.memory_space<vmem>>
          %get3A_595 = tpu.memref_squeeze %get3A_594 : memref<1x32x128xf32, #tpu.memory_space<vmem>> -> memref<32x128xf32, #tpu.memory_space<vmem>>
          %get3A_596 = arith.index_cast %add3A_591 : i32 to index
          %get3A_597 = arith.constant 48 : index
          %get3A_598 = tpu.vector_load %get3A_595[%get3A_596, %get3A_597] {strides = array<i32>} : memref<32x128xf32, #tpu.memory_space<vmem>>, vector<1x16xf32>,
          %get3A_599 = vector.shape_cast %get3A_598 : vector<1x16xf32> to vector<16xf32>
          %add3A_600 = arith.constant 1 : i32
          %add3A_601 = arith.addi %add3A_294, %add3A_600 : i32
          %mul3A_602 = arith.constant 8 : i32
          %mul3A_603 = arith.muli %add3A_601, %mul3A_602 : i32
          %add3A_604 = arith.constant 3 : i32
          %add3A_605 = arith.addi %mul3A_603, %add3A_604 : i32
          %swap3A_606 = arith.constant 0 : i32
          %swap3A_607 = arith.constant 0 : i32
          %swap3A_608 = arith.constant 0 : i32
          %swap3A_609 = tpu.memref_slice %run_scoped3A_8[%rem3A_209, %swap3A_606, %swap3A_607, %swap3A_608] : memref<2x32x8x16xf32, #tpu.memory_space<vmem>> -> memref<1x32x8x16xf32, #tpu.memory_space<vmem>>
          %swap3A_610 = tpu.memref_squeeze %swap3A_609 : memref<1x32x8x16xf32, #tpu.memory_space<vmem>> -> memref<32x8x16xf32, #tpu.memory_space<vmem>>
          %swap3A_611 = tpu.memref_reshape %swap3A_610 : memref<32x8x16xf32, #tpu.memory_space<vmem>> -> memref<256x16xf32, #tpu.memory_space<vmem>>
          %swap3A_612 = arith.index_cast %add3A_605 : i32 to index
          %swap3A_613 = arith.constant 0 : index
          %swap3A_614 = tpu.vector_load %swap3A_611[%swap3A_612, %swap3A_613] {strides = array<i32>} : memref<256x16xf32, #tpu.memory_space<vmem>>, vector<1x16xf32>,
          %swap3A_615 = vector.shape_cast %swap3A_614 : vector<1x16xf32> to vector<16xf32>
          %swap3A_616 = vector.shape_cast %get3A_599 : vector<16xf32> to vector<1x16xf32>
          tpu.vector_store %swap3A_611[%swap3A_612, %swap3A_613], %swap3A_616 {strides = array<i32>} : memref<256x16xf32, #tpu.memory_space<vmem>>, vector<1x16xf32>,
          %add3A_617 = arith.constant 1 : i32
          %add3A_618 = arith.addi %add3A_294, %add3A_617 : i32
          %get3A_619 = arith.constant 0 : i32
          %get3A_620 = arith.constant 0 : i32
          %get3A_621 = tpu.memref_slice %run_scoped3A[%rem3A_207, %get3A_619, %get3A_620] : memref<2x32x128xf32, #tpu.memory_space<vmem>> -> memref<1x32x128xf32, #tpu.memory_space<vmem>>
          %get3A_622 = tpu.memref_squeeze %get3A_621 : memref<1x32x128xf32, #tpu.memory_space<vmem>> -> memref<32x128xf32, #tpu.memory_space<vmem>>
          %get3A_623 = arith.index_cast %add3A_618 : i32 to index
          %get3A_624 = arith.constant 64 : index
          %get3A_625 = tpu.vector_load %get3A_622[%get3A_623, %get3A_624] {strides = array<i32>} : memref<32x128xf32, #tpu.memory_space<vmem>>, vector<1x16xf32>,
          %get3A_626 = vector.shape_cast %get3A_625 : vector<1x16xf32> to vector<16xf32>
          %add3A_627 = arith.constant 1 : i32
          %add3A_628 = arith.addi %add3A_294, %add3A_627 : i32
          %mul3A_629 = arith.constant 8 : i32
          %mul3A_630 = arith.muli %add3A_628, %mul3A_629 : i32
          %add3A_631 = arith.constant 4 : i32
          %add3A_632 = arith.addi %mul3A_630, %add3A_631 : i32
          %swap3A_633 = arith.constant 0 : i32
          %swap3A_634 = arith.constant 0 : i32
          %swap3A_635 = arith.constant 0 : i32
          %swap3A_636 = tpu.memref_slice %run_scoped3A_8[%rem3A_209, %swap3A_633, %swap3A_634, %swap3A_635] : memref<2x32x8x16xf32, #tpu.memory_space<vmem>> -> memref<1x32x8x16xf32, #tpu.memory_space<vmem>>
          %swap3A_637 = tpu.memref_squeeze %swap3A_636 : memref<1x32x8x16xf32, #tpu.memory_space<vmem>> -> memref<32x8x16xf32, #tpu.memory_space<vmem>>
          %swap3A_638 = tpu.memref_reshape %swap3A_637 : memref<32x8x16xf32, #tpu.memory_space<vmem>> -> memref<256x16xf32, #tpu.memory_space<vmem>>
          %swap3A_639 = arith.index_cast %add3A_632 : i32 to index
          %swap3A_640 = arith.constant 0 : index
          %swap3A_641 = tpu.vector_load %swap3A_638[%swap3A_639, %swap3A_640] {strides = array<i32>} : memref<256x16xf32, #tpu.memory_space<vmem>>, vector<1x16xf32>,
          %swap3A_642 = vector.shape_cast %swap3A_641 : vector<1x16xf32> to vector<16xf32>
          %swap3A_643 = vector.shape_cast %get3A_626 : vector<16xf32> to vector<1x16xf32>
          tpu.vector_store %swap3A_638[%swap3A_639, %swap3A_640], %swap3A_643 {strides = array<i32>} : memref<256x16xf32, #tpu.memory_space<vmem>>, vector<1x16xf32>,
          %add3A_644 = arith.constant 1 : i32
          %add3A_645 = arith.addi %add3A_294, %add3A_644 : i32
          %get3A_646 = arith.constant 0 : i32
          %get3A_647 = arith.constant 0 : i32
          %get3A_648 = tpu.memref_slice %run_scoped3A[%rem3A_207, %get3A_646, %get3A_647] : memref<2x32x128xf32, #tpu.memory_space<vmem>> -> memref<1x32x128xf32, #tpu.memory_space<vmem>>
          %get3A_649 = tpu.memref_squeeze %get3A_648 : memref<1x32x128xf32, #tpu.memory_space<vmem>> -> memref<32x128xf32, #tpu.memory_space<vmem>>
          %get3A_650 = arith.index_cast %add3A_645 : i32 to index
          %get3A_651 = arith.constant 80 : index
          %get3A_652 = tpu.vector_load %get3A_649[%get3A_650, %get3A_651] {strides = array<i32>} : memref<32x128xf32, #tpu.memory_space<vmem>>, vector<1x16xf32>,
          %get3A_653 = vector.shape_cast %get3A_652 : vector<1x16xf32> to vector<16xf32>
          %add3A_654 = arith.constant 1 : i32
          %add3A_655 = arith.addi %add3A_294, %add3A_654 : i32
          %mul3A_656 = arith.constant 8 : i32
          %mul3A_657 = arith.muli %add3A_655, %mul3A_656 : i32
          %add3A_658 = arith.constant 5 : i32
          %add3A_659 = arith.addi %mul3A_657, %add3A_658 : i32
          %swap3A_660 = arith.constant 0 : i32
          %swap3A_661 = arith.constant 0 : i32
          %swap3A_662 = arith.constant 0 : i32
          %swap3A_663 = tpu.memref_slice %run_scoped3A_8[%rem3A_209, %swap3A_660, %swap3A_661, %swap3A_662] : memref<2x32x8x16xf32, #tpu.memory_space<vmem>> -> memref<1x32x8x16xf32, #tpu.memory_space<vmem>>
          %swap3A_664 = tpu.memref_squeeze %swap3A_663 : memref<1x32x8x16xf32, #tpu.memory_space<vmem>> -> memref<32x8x16xf32, #tpu.memory_space<vmem>>
          %swap3A_665 = tpu.memref_reshape %swap3A_664 : memref<32x8x16xf32, #tpu.memory_space<vmem>> -> memref<256x16xf32, #tpu.memory_space<vmem>>
          %swap3A_666 = arith.index_cast %add3A_659 : i32 to index
          %swap3A_667 = arith.constant 0 : index
          %swap3A_668 = tpu.vector_load %swap3A_665[%swap3A_666, %swap3A_667] {strides = array<i32>} : memref<256x16xf32, #tpu.memory_space<vmem>>, vector<1x16xf32>,
          %swap3A_669 = vector.shape_cast %swap3A_668 : vector<1x16xf32> to vector<16xf32>
          %swap3A_670 = vector.shape_cast %get3A_653 : vector<16xf32> to vector<1x16xf32>
          tpu.vector_store %swap3A_665[%swap3A_666, %swap3A_667], %swap3A_670 {strides = array<i32>} : memref<256x16xf32, #tpu.memory_space<vmem>>, vector<1x16xf32>,
          %add3A_671 = arith.constant 1 : i32
          %add3A_672 = arith.addi %add3A_294, %add3A_671 : i32
          %get3A_673 = arith.constant 0 : i32
          %get3A_674 = arith.constant 0 : i32
          %get3A_675 = tpu.memref_slice %run_scoped3A[%rem3A_207, %get3A_673, %get3A_674] : memref<2x32x128xf32, #tpu.memory_space<vmem>> -> memref<1x32x128xf32, #tpu.memory_space<vmem>>
          %get3A_676 = tpu.memref_squeeze %get3A_675 : memref<1x32x128xf32, #tpu.memory_space<vmem>> -> memref<32x128xf32, #tpu.memory_space<vmem>>
          %get3A_677 = arith.index_cast %add3A_672 : i32 to index
          %get3A_678 = arith.constant 96 : index
          %get3A_679 = tpu.vector_load %get3A_676[%get3A_677, %get3A_678] {strides = array<i32>} : memref<32x128xf32, #tpu.memory_space<vmem>>, vector<1x16xf32>,
          %get3A_680 = vector.shape_cast %get3A_679 : vector<1x16xf32> to vector<16xf32>
          %add3A_681 = arith.constant 1 : i32
          %add3A_682 = arith.addi %add3A_294, %add3A_681 : i32
          %mul3A_683 = arith.constant 8 : i32
          %mul3A_684 = arith.muli %add3A_682, %mul3A_683 : i32
          %add3A_685 = arith.constant 6 : i32
          %add3A_686 = arith.addi %mul3A_684, %add3A_685 : i32
          %swap3A_687 = arith.constant 0 : i32
          %swap3A_688 = arith.constant 0 : i32
          %swap3A_689 = arith.constant 0 : i32
          %swap3A_690 = tpu.memref_slice %run_scoped3A_8[%rem3A_209, %swap3A_687, %swap3A_688, %swap3A_689] : memref<2x32x8x16xf32, #tpu.memory_space<vmem>> -> memref<1x32x8x16xf32, #tpu.memory_space<vmem>>
          %swap3A_691 = tpu.memref_squeeze %swap3A_690 : memref<1x32x8x16xf32, #tpu.memory_space<vmem>> -> memref<32x8x16xf32, #tpu.memory_space<vmem>>
          %swap3A_692 = tpu.memref_reshape %swap3A_691 : memref<32x8x16xf32, #tpu.memory_space<vmem>> -> memref<256x16xf32, #tpu.memory_space<vmem>>
          %swap3A_693 = arith.index_cast %add3A_686 : i32 to index
          %swap3A_694 = arith.constant 0 : index
          %swap3A_695 = tpu.vector_load %swap3A_692[%swap3A_693, %swap3A_694] {strides = array<i32>} : memref<256x16xf32, #tpu.memory_space<vmem>>, vector<1x16xf32>,
          %swap3A_696 = vector.shape_cast %swap3A_695 : vector<1x16xf32> to vector<16xf32>
          %swap3A_697 = vector.shape_cast %get3A_680 : vector<16xf32> to vector<1x16xf32>
          tpu.vector_store %swap3A_692[%swap3A_693, %swap3A_694], %swap3A_697 {strides = array<i32>} : memref<256x16xf32, #tpu.memory_space<vmem>>, vector<1x16xf32>,
          %add3A_698 = arith.constant 1 : i32
          %add3A_699 = arith.addi %add3A_294, %add3A_698 : i32
          %get3A_700 = arith.constant 0 : i32
          %get3A_701 = arith.constant 0 : i32
          %get3A_702 = tpu.memref_slice %run_scoped3A[%rem3A_207, %get3A_700, %get3A_701] : memref<2x32x128xf32, #tpu.memory_space<vmem>> -> memref<1x32x128xf32, #tpu.memory_space<vmem>>
          %get3A_703 = tpu.memref_squeeze %get3A_702 : memref<1x32x128xf32, #tpu.memory_space<vmem>> -> memref<32x128xf32, #tpu.memory_space<vmem>>
          %get3A_704 = arith.index_cast %add3A_699 : i32 to index
          %get3A_705 = arith.constant 112 : index
          %get3A_706 = tpu.vector_load %get3A_703[%get3A_704, %get3A_705] {strides = array<i32>} : memref<32x128xf32, #tpu.memory_space<vmem>>, vector<1x16xf32>,
          %get3A_707 = vector.shape_cast %get3A_706 : vector<1x16xf32> to vector<16xf32>
          %add3A_708 = arith.constant 1 : i32
          %add3A_709 = arith.addi %add3A_294, %add3A_708 : i32
          %mul3A_710 = arith.constant 8 : i32
          %mul3A_711 = arith.muli %add3A_709, %mul3A_710 : i32
          %add3A_712 = arith.constant 7 : i32
          %add3A_713 = arith.addi %mul3A_711, %add3A_712 : i32
          %swap3A_714 = arith.constant 0 : i32
          %swap3A_715 = arith.constant 0 : i32
          %swap3A_716 = arith.constant 0 : i32
          %swap3A_717 = tpu.memref_slice %run_scoped3A_8[%rem3A_209, %swap3A_714, %swap3A_715, %swap3A_716] : memref<2x32x8x16xf32, #tpu.memory_space<vmem>> -> memref<1x32x8x16xf32, #tpu.memory_space<vmem>>
          %swap3A_718 = tpu.memref_squeeze %swap3A_717 : memref<1x32x8x16xf32, #tpu.memory_space<vmem>> -> memref<32x8x16xf32, #tpu.memory_space<vmem>>
          %swap3A_719 = tpu.memref_reshape %swap3A_718 : memref<32x8x16xf32, #tpu.memory_space<vmem>> -> memref<256x16xf32, #tpu.memory_space<vmem>>
          %swap3A_720 = arith.index_cast %add3A_713 : i32 to index
          %swap3A_721 = arith.constant 0 : index
          %swap3A_722 = tpu.vector_load %swap3A_719[%swap3A_720, %swap3A_721] {strides = array<i32>} : memref<256x16xf32, #tpu.memory_space<vmem>>, vector<1x16xf32>,
          %swap3A_723 = vector.shape_cast %swap3A_722 : vector<1x16xf32> to vector<16xf32>
          %swap3A_724 = vector.shape_cast %get3A_707 : vector<16xf32> to vector<1x16xf32>
          tpu.vector_store %swap3A_719[%swap3A_720, %swap3A_721], %swap3A_724 {strides = array<i32>} : memref<256x16xf32, #tpu.memory_space<vmem>>, vector<1x16xf32>,
          %add3A_725 = arith.constant 2 : i32
          %add3A_726 = arith.addi %add3A_294, %add3A_725 : i32
          %get3A_727 = arith.constant 0 : i32
          %get3A_728 = arith.constant 0 : i32
          %get3A_729 = tpu.memref_slice %run_scoped3A[%rem3A_207, %get3A_727, %get3A_728] : memref<2x32x128xf32, #tpu.memory_space<vmem>> -> memref<1x32x128xf32, #tpu.memory_space<vmem>>
          %get3A_730 = tpu.memref_squeeze %get3A_729 : memref<1x32x128xf32, #tpu.memory_space<vmem>> -> memref<32x128xf32, #tpu.memory_space<vmem>>
          %get3A_731 = arith.index_cast %add3A_726 : i32 to index
          %get3A_732 = arith.constant 0 : index
          %get3A_733 = tpu.vector_load %get3A_730[%get3A_731, %get3A_732] {strides = array<i32>} : memref<32x128xf32, #tpu.memory_space<vmem>>, vector<1x16xf32>,
          %get3A_734 = vector.shape_cast %get3A_733 : vector<1x16xf32> to vector<16xf32>
          %add3A_735 = arith.constant 2 : i32
          %add3A_736 = arith.addi %add3A_294, %add3A_735 : i32
          %mul3A_737 = arith.constant 8 : i32
          %mul3A_738 = arith.muli %add3A_736, %mul3A_737 : i32
          %add3A_739 = arith.constant 0 : i32
          %add3A_740 = arith.addi %mul3A_738, %add3A_739 : i32
          %swap3A_741 = arith.constant 0 : i32
          %swap3A_742 = arith.constant 0 : i32
          %swap3A_743 = arith.constant 0 : i32
          %swap3A_744 = tpu.memref_slice %run_scoped3A_8[%rem3A_209, %swap3A_741, %swap3A_742, %swap3A_743] : memref<2x32x8x16xf32, #tpu.memory_space<vmem>> -> memref<1x32x8x16xf32, #tpu.memory_space<vmem>>
          %swap3A_745 = tpu.memref_squeeze %swap3A_744 : memref<1x32x8x16xf32, #tpu.memory_space<vmem>> -> memref<32x8x16xf32, #tpu.memory_space<vmem>>
          %swap3A_746 = tpu.memref_reshape %swap3A_745 : memref<32x8x16xf32, #tpu.memory_space<vmem>> -> memref<256x16xf32, #tpu.memory_space<vmem>>
          %swap3A_747 = arith.index_cast %add3A_740 : i32 to index
          %swap3A_748 = arith.constant 0 : index
          %swap3A_749 = tpu.vector_load %swap3A_746[%swap3A_747, %swap3A_748] {strides = array<i32>} : memref<256x16xf32, #tpu.memory_space<vmem>>, vector<1x16xf32>,
          %swap3A_750 = vector.shape_cast %swap3A_749 : vector<1x16xf32> to vector<16xf32>
          %swap3A_751 = vector.shape_cast %get3A_734 : vector<16xf32> to vector<1x16xf32>
          tpu.vector_store %swap3A_746[%swap3A_747, %swap3A_748], %swap3A_751 {strides = array<i32>} : memref<256x16xf32, #tpu.memory_space<vmem>>, vector<1x16xf32>,
          %add3A_752 = arith.constant 2 : i32
          %add3A_753 = arith.addi %add3A_294, %add3A_752 : i32
          %get3A_754 = arith.constant 0 : i32
          %get3A_755 = arith.constant 0 : i32
          %get3A_756 = tpu.memref_slice %run_scoped3A[%rem3A_207, %get3A_754, %get3A_755] : memref<2x32x128xf32, #tpu.memory_space<vmem>> -> memref<1x32x128xf32, #tpu.memory_space<vmem>>
          %get3A_757 = tpu.memref_squeeze %get3A_756 : memref<1x32x128xf32, #tpu.memory_space<vmem>> -> memref<32x128xf32, #tpu.memory_space<vmem>>
          %get3A_758 = arith.index_cast %add3A_753 : i32 to index
          %get3A_759 = arith.constant 16 : index
          %get3A_760 = tpu.vector_load %get3A_757[%get3A_758, %get3A_759] {strides = array<i32>} : memref<32x128xf32, #tpu.memory_space<vmem>>, vector<1x16xf32>,
          %get3A_761 = vector.shape_cast %get3A_760 : vector<1x16xf32> to vector<16xf32>
          %add3A_762 = arith.constant 2 : i32
          %add3A_763 = arith.addi %add3A_294, %add3A_762 : i32
          %mul3A_764 = arith.constant 8 : i32
          %mul3A_765 = arith.muli %add3A_763, %mul3A_764 : i32
          %add3A_766 = arith.constant 1 : i32
          %add3A_767 = arith.addi %mul3A_765, %add3A_766 : i32
          %swap3A_768 = arith.constant 0 : i32
          %swap3A_769 = arith.constant 0 : i32
          %swap3A_770 = arith.constant 0 : i32
          %swap3A_771 = tpu.memref_slice %run_scoped3A_8[%rem3A_209, %swap3A_768, %swap3A_769, %swap3A_770] : memref<2x32x8x16xf32, #tpu.memory_space<vmem>> -> memref<1x32x8x16xf32, #tpu.memory_space<vmem>>
          %swap3A_772 = tpu.memref_squeeze %swap3A_771 : memref<1x32x8x16xf32, #tpu.memory_space<vmem>> -> memref<32x8x16xf32, #tpu.memory_space<vmem>>
          %swap3A_773 = tpu.memref_reshape %swap3A_772 : memref<32x8x16xf32, #tpu.memory_space<vmem>> -> memref<256x16xf32, #tpu.memory_space<vmem>>
          %swap3A_774 = arith.index_cast %add3A_767 : i32 to index
          %swap3A_775 = arith.constant 0 : index
          %swap3A_776 = tpu.vector_load %swap3A_773[%swap3A_774, %swap3A_775] {strides = array<i32>} : memref<256x16xf32, #tpu.memory_space<vmem>>, vector<1x16xf32>,
          %swap3A_777 = vector.shape_cast %swap3A_776 : vector<1x16xf32> to vector<16xf32>
          %swap3A_778 = vector.shape_cast %get3A_761 : vector<16xf32> to vector<1x16xf32>
          tpu.vector_store %swap3A_773[%swap3A_774, %swap3A_775], %swap3A_778 {strides = array<i32>} : memref<256x16xf32, #tpu.memory_space<vmem>>, vector<1x16xf32>,
          %add3A_779 = arith.constant 2 : i32
          %add3A_780 = arith.addi %add3A_294, %add3A_779 : i32
          %get3A_781 = arith.constant 0 : i32
          %get3A_782 = arith.constant 0 : i32
          %get3A_783 = tpu.memref_slice %run_scoped3A[%rem3A_207, %get3A_781, %get3A_782] : memref<2x32x128xf32, #tpu.memory_space<vmem>> -> memref<1x32x128xf32, #tpu.memory_space<vmem>>
          %get3A_784 = tpu.memref_squeeze %get3A_783 : memref<1x32x128xf32, #tpu.memory_space<vmem>> -> memref<32x128xf32, #tpu.memory_space<vmem>>
          %get3A_785 = arith.index_cast %add3A_780 : i32 to index
          %get3A_786 = arith.constant 32 : index
          %get3A_787 = tpu.vector_load %get3A_784[%get3A_785, %get3A_786] {strides = array<i32>} : memref<32x128xf32, #tpu.memory_space<vmem>>, vector<1x16xf32>,
          %get3A_788 = vector.shape_cast %get3A_787 : vector<1x16xf32> to vector<16xf32>
          %add3A_789 = arith.constant 2 : i32
          %add3A_790 = arith.addi %add3A_294, %add3A_789 : i32
          %mul3A_791 = arith.constant 8 : i32
          %mul3A_792 = arith.muli %add3A_790, %mul3A_791 : i32
          %add3A_793 = arith.constant 2 : i32
          %add3A_794 = arith.addi %mul3A_792, %add3A_793 : i32
          %swap3A_795 = arith.constant 0 : i32
          %swap3A_796 = arith.constant 0 : i32
          %swap3A_797 = arith.constant 0 : i32
          %swap3A_798 = tpu.memref_slice %run_scoped3A_8[%rem3A_209, %swap3A_795, %swap3A_796, %swap3A_797] : memref<2x32x8x16xf32, #tpu.memory_space<vmem>> -> memref<1x32x8x16xf32, #tpu.memory_space<vmem>>
          %swap3A_799 = tpu.memref_squeeze %swap3A_798 : memref<1x32x8x16xf32, #tpu.memory_space<vmem>> -> memref<32x8x16xf32, #tpu.memory_space<vmem>>
          %swap3A_800 = tpu.memref_reshape %swap3A_799 : memref<32x8x16xf32, #tpu.memory_space<vmem>> -> memref<256x16xf32, #tpu.memory_space<vmem>>
          %swap3A_801 = arith.index_cast %add3A_794 : i32 to index
          %swap3A_802 = arith.constant 0 : index
          %swap3A_803 = tpu.vector_load %swap3A_800[%swap3A_801, %swap3A_802] {strides = array<i32>} : memref<256x16xf32, #tpu.memory_space<vmem>>, vector<1x16xf32>,
          %swap3A_804 = vector.shape_cast %swap3A_803 : vector<1x16xf32> to vector<16xf32>
          %swap3A_805 = vector.shape_cast %get3A_788 : vector<16xf32> to vector<1x16xf32>
          tpu.vector_store %swap3A_800[%swap3A_801, %swap3A_802], %swap3A_805 {strides = array<i32>} : memref<256x16xf32, #tpu.memory_space<vmem>>, vector<1x16xf32>,
          %add3A_806 = arith.constant 2 : i32
          %add3A_807 = arith.addi %add3A_294, %add3A_806 : i32
          %get3A_808 = arith.constant 0 : i32
          %get3A_809 = arith.constant 0 : i32
          %get3A_810 = tpu.memref_slice %run_scoped3A[%rem3A_207, %get3A_808, %get3A_809] : memref<2x32x128xf32, #tpu.memory_space<vmem>> -> memref<1x32x128xf32, #tpu.memory_space<vmem>>
          %get3A_811 = tpu.memref_squeeze %get3A_810 : memref<1x32x128xf32, #tpu.memory_space<vmem>> -> memref<32x128xf32, #tpu.memory_space<vmem>>
          %get3A_812 = arith.index_cast %add3A_807 : i32 to index
          %get3A_813 = arith.constant 48 : index
          %get3A_814 = tpu.vector_load %get3A_811[%get3A_812, %get3A_813] {strides = array<i32>} : memref<32x128xf32, #tpu.memory_space<vmem>>, vector<1x16xf32>,
          %get3A_815 = vector.shape_cast %get3A_814 : vector<1x16xf32> to vector<16xf32>
          %add3A_816 = arith.constant 2 : i32
          %add3A_817 = arith.addi %add3A_294, %add3A_816 : i32
          %mul3A_818 = arith.constant 8 : i32
          %mul3A_819 = arith.muli %add3A_817, %mul3A_818 : i32
          %add3A_820 = arith.constant 3 : i32
          %add3A_821 = arith.addi %mul3A_819, %add3A_820 : i32
          %swap3A_822 = arith.constant 0 : i32
          %swap3A_823 = arith.constant 0 : i32
          %swap3A_824 = arith.constant 0 : i32
          %swap3A_825 = tpu.memref_slice %run_scoped3A_8[%rem3A_209, %swap3A_822, %swap3A_823, %swap3A_824] : memref<2x32x8x16xf32, #tpu.memory_space<vmem>> -> memref<1x32x8x16xf32, #tpu.memory_space<vmem>>
          %swap3A_826 = tpu.memref_squeeze %swap3A_825 : memref<1x32x8x16xf32, #tpu.memory_space<vmem>> -> memref<32x8x16xf32, #tpu.memory_space<vmem>>
          %swap3A_827 = tpu.memref_reshape %swap3A_826 : memref<32x8x16xf32, #tpu.memory_space<vmem>> -> memref<256x16xf32, #tpu.memory_space<vmem>>
          %swap3A_828 = arith.index_cast %add3A_821 : i32 to index
          %swap3A_829 = arith.constant 0 : index
          %swap3A_830 = tpu.vector_load %swap3A_827[%swap3A_828, %swap3A_829] {strides = array<i32>} : memref<256x16xf32, #tpu.memory_space<vmem>>, vector<1x16xf32>,
          %swap3A_831 = vector.shape_cast %swap3A_830 : vector<1x16xf32> to vector<16xf32>
          %swap3A_832 = vector.shape_cast %get3A_815 : vector<16xf32> to vector<1x16xf32>
          tpu.vector_store %swap3A_827[%swap3A_828, %swap3A_829], %swap3A_832 {strides = array<i32>} : memref<256x16xf32, #tpu.memory_space<vmem>>, vector<1x16xf32>,
          %add3A_833 = arith.constant 2 : i32
          %add3A_834 = arith.addi %add3A_294, %add3A_833 : i32
          %get3A_835 = arith.constant 0 : i32
          %get3A_836 = arith.constant 0 : i32
          %get3A_837 = tpu.memref_slice %run_scoped3A[%rem3A_207, %get3A_835, %get3A_836] : memref<2x32x128xf32, #tpu.memory_space<vmem>> -> memref<1x32x128xf32, #tpu.memory_space<vmem>>
          %get3A_838 = tpu.memref_squeeze %get3A_837 : memref<1x32x128xf32, #tpu.memory_space<vmem>> -> memref<32x128xf32, #tpu.memory_space<vmem>>
          %get3A_839 = arith.index_cast %add3A_834 : i32 to index
          %get3A_840 = arith.constant 64 : index
          %get3A_841 = tpu.vector_load %get3A_838[%get3A_839, %get3A_840] {strides = array<i32>} : memref<32x128xf32, #tpu.memory_space<vmem>>, vector<1x16xf32>,
          %get3A_842 = vector.shape_cast %get3A_841 : vector<1x16xf32> to vector<16xf32>
          %add3A_843 = arith.constant 2 : i32
          %add3A_844 = arith.addi %add3A_294, %add3A_843 : i32
          %mul3A_845 = arith.constant 8 : i32
          %mul3A_846 = arith.muli %add3A_844, %mul3A_845 : i32
          %add3A_847 = arith.constant 4 : i32
          %add3A_848 = arith.addi %mul3A_846, %add3A_847 : i32
          %swap3A_849 = arith.constant 0 : i32
          %swap3A_850 = arith.constant 0 : i32
          %swap3A_851 = arith.constant 0 : i32
          %swap3A_852 = tpu.memref_slice %run_scoped3A_8[%rem3A_209, %swap3A_849, %swap3A_850, %swap3A_851] : memref<2x32x8x16xf32, #tpu.memory_space<vmem>> -> memref<1x32x8x16xf32, #tpu.memory_space<vmem>>
          %swap3A_853 = tpu.memref_squeeze %swap3A_852 : memref<1x32x8x16xf32, #tpu.memory_space<vmem>> -> memref<32x8x16xf32, #tpu.memory_space<vmem>>
          %swap3A_854 = tpu.memref_reshape %swap3A_853 : memref<32x8x16xf32, #tpu.memory_space<vmem>> -> memref<256x16xf32, #tpu.memory_space<vmem>>
          %swap3A_855 = arith.index_cast %add3A_848 : i32 to index
          %swap3A_856 = arith.constant 0 : index
          %swap3A_857 = tpu.vector_load %swap3A_854[%swap3A_855, %swap3A_856] {strides = array<i32>} : memref<256x16xf32, #tpu.memory_space<vmem>>, vector<1x16xf32>,
          %swap3A_858 = vector.shape_cast %swap3A_857 : vector<1x16xf32> to vector<16xf32>
          %swap3A_859 = vector.shape_cast %get3A_842 : vector<16xf32> to vector<1x16xf32>
          tpu.vector_store %swap3A_854[%swap3A_855, %swap3A_856], %swap3A_859 {strides = array<i32>} : memref<256x16xf32, #tpu.memory_space<vmem>>, vector<1x16xf32>,
          %add3A_860 = arith.constant 2 : i32
          %add3A_861 = arith.addi %add3A_294, %add3A_860 : i32
          %get3A_862 = arith.constant 0 : i32
          %get3A_863 = arith.constant 0 : i32
          %get3A_864 = tpu.memref_slice %run_scoped3A[%rem3A_207, %get3A_862, %get3A_863] : memref<2x32x128xf32, #tpu.memory_space<vmem>> -> memref<1x32x128xf32, #tpu.memory_space<vmem>>
          %get3A_865 = tpu.memref_squeeze %get3A_864 : memref<1x32x128xf32, #tpu.memory_space<vmem>> -> memref<32x128xf32, #tpu.memory_space<vmem>>
          %get3A_866 = arith.index_cast %add3A_861 : i32 to index
          %get3A_867 = arith.constant 80 : index
          %get3A_868 = tpu.vector_load %get3A_865[%get3A_866, %get3A_867] {strides = array<i32>} : memref<32x128xf32, #tpu.memory_space<vmem>>, vector<1x16xf32>,
          %get3A_869 = vector.shape_cast %get3A_868 : vector<1x16xf32> to vector<16xf32>
          %add3A_870 = arith.constant 2 : i32
          %add3A_871 = arith.addi %add3A_294, %add3A_870 : i32
          %mul3A_872 = arith.constant 8 : i32
          %mul3A_873 = arith.muli %add3A_871, %mul3A_872 : i32
          %add3A_874 = arith.constant 5 : i32
          %add3A_875 = arith.addi %mul3A_873, %add3A_874 : i32
          %swap3A_876 = arith.constant 0 : i32
          %swap3A_877 = arith.constant 0 : i32
          %swap3A_878 = arith.constant 0 : i32
          %swap3A_879 = tpu.memref_slice %run_scoped3A_8[%rem3A_209, %swap3A_876, %swap3A_877, %swap3A_878] : memref<2x32x8x16xf32, #tpu.memory_space<vmem>> -> memref<1x32x8x16xf32, #tpu.memory_space<vmem>>
          %swap3A_880 = tpu.memref_squeeze %swap3A_879 : memref<1x32x8x16xf32, #tpu.memory_space<vmem>> -> memref<32x8x16xf32, #tpu.memory_space<vmem>>
          %swap3A_881 = tpu.memref_reshape %swap3A_880 : memref<32x8x16xf32, #tpu.memory_space<vmem>> -> memref<256x16xf32, #tpu.memory_space<vmem>>
          %swap3A_882 = arith.index_cast %add3A_875 : i32 to index
          %swap3A_883 = arith.constant 0 : index
          %swap3A_884 = tpu.vector_load %swap3A_881[%swap3A_882, %swap3A_883] {strides = array<i32>} : memref<256x16xf32, #tpu.memory_space<vmem>>, vector<1x16xf32>,
          %swap3A_885 = vector.shape_cast %swap3A_884 : vector<1x16xf32> to vector<16xf32>
          %swap3A_886 = vector.shape_cast %get3A_869 : vector<16xf32> to vector<1x16xf32>
          tpu.vector_store %swap3A_881[%swap3A_882, %swap3A_883], %swap3A_886 {strides = array<i32>} : memref<256x16xf32, #tpu.memory_space<vmem>>, vector<1x16xf32>,
          %add3A_887 = arith.constant 2 : i32
          %add3A_888 = arith.addi %add3A_294, %add3A_887 : i32
          %get3A_889 = arith.constant 0 : i32
          %get3A_890 = arith.constant 0 : i32
          %get3A_891 = tpu.memref_slice %run_scoped3A[%rem3A_207, %get3A_889, %get3A_890] : memref<2x32x128xf32, #tpu.memory_space<vmem>> -> memref<1x32x128xf32, #tpu.memory_space<vmem>>
          %get3A_892 = tpu.memref_squeeze %get3A_891 : memref<1x32x128xf32, #tpu.memory_space<vmem>> -> memref<32x128xf32, #tpu.memory_space<vmem>>
          %get3A_893 = arith.index_cast %add3A_888 : i32 to index
          %get3A_894 = arith.constant 96 : index
          %get3A_895 = tpu.vector_load %get3A_892[%get3A_893, %get3A_894] {strides = array<i32>} : memref<32x128xf32, #tpu.memory_space<vmem>>, vector<1x16xf32>,
          %get3A_896 = vector.shape_cast %get3A_895 : vector<1x16xf32> to vector<16xf32>
          %add3A_897 = arith.constant 2 : i32
          %add3A_898 = arith.addi %add3A_294, %add3A_897 : i32
          %mul3A_899 = arith.constant 8 : i32
          %mul3A_900 = arith.muli %add3A_898, %mul3A_899 : i32
          %add3A_901 = arith.constant 6 : i32
          %add3A_902 = arith.addi %mul3A_900, %add3A_901 : i32
          %swap3A_903 = arith.constant 0 : i32
          %swap3A_904 = arith.constant 0 : i32
          %swap3A_905 = arith.constant 0 : i32
          %swap3A_906 = tpu.memref_slice %run_scoped3A_8[%rem3A_209, %swap3A_903, %swap3A_904, %swap3A_905] : memref<2x32x8x16xf32, #tpu.memory_space<vmem>> -> memref<1x32x8x16xf32, #tpu.memory_space<vmem>>
          %swap3A_907 = tpu.memref_squeeze %swap3A_906 : memref<1x32x8x16xf32, #tpu.memory_space<vmem>> -> memref<32x8x16xf32, #tpu.memory_space<vmem>>
          %swap3A_908 = tpu.memref_reshape %swap3A_907 : memref<32x8x16xf32, #tpu.memory_space<vmem>> -> memref<256x16xf32, #tpu.memory_space<vmem>>
          %swap3A_909 = arith.index_cast %add3A_902 : i32 to index
          %swap3A_910 = arith.constant 0 : index
          %swap3A_911 = tpu.vector_load %swap3A_908[%swap3A_909, %swap3A_910] {strides = array<i32>} : memref<256x16xf32, #tpu.memory_space<vmem>>, vector<1x16xf32>,
          %swap3A_912 = vector.shape_cast %swap3A_911 : vector<1x16xf32> to vector<16xf32>
          %swap3A_913 = vector.shape_cast %get3A_896 : vector<16xf32> to vector<1x16xf32>
          tpu.vector_store %swap3A_908[%swap3A_909, %swap3A_910], %swap3A_913 {strides = array<i32>} : memref<256x16xf32, #tpu.memory_space<vmem>>, vector<1x16xf32>,
          %add3A_914 = arith.constant 2 : i32
          %add3A_915 = arith.addi %add3A_294, %add3A_914 : i32
          %get3A_916 = arith.constant 0 : i32
          %get3A_917 = arith.constant 0 : i32
          %get3A_918 = tpu.memref_slice %run_scoped3A[%rem3A_207, %get3A_916, %get3A_917] : memref<2x32x128xf32, #tpu.memory_space<vmem>> -> memref<1x32x128xf32, #tpu.memory_space<vmem>>
          %get3A_919 = tpu.memref_squeeze %get3A_918 : memref<1x32x128xf32, #tpu.memory_space<vmem>> -> memref<32x128xf32, #tpu.memory_space<vmem>>
          %get3A_920 = arith.index_cast %add3A_915 : i32 to index
          %get3A_921 = arith.constant 112 : index
          %get3A_922 = tpu.vector_load %get3A_919[%get3A_920, %get3A_921] {strides = array<i32>} : memref<32x128xf32, #tpu.memory_space<vmem>>, vector<1x16xf32>,
          %get3A_923 = vector.shape_cast %get3A_922 : vector<1x16xf32> to vector<16xf32>
          %add3A_924 = arith.constant 2 : i32
          %add3A_925 = arith.addi %add3A_294, %add3A_924 : i32
          %mul3A_926 = arith.constant 8 : i32
          %mul3A_927 = arith.muli %add3A_925, %mul3A_926 : i32
          %add3A_928 = arith.constant 7 : i32
          %add3A_929 = arith.addi %mul3A_927, %add3A_928 : i32
          %swap3A_930 = arith.constant 0 : i32
          %swap3A_931 = arith.constant 0 : i32
          %swap3A_932 = arith.constant 0 : i32
          %swap3A_933 = tpu.memref_slice %run_scoped3A_8[%rem3A_209, %swap3A_930, %swap3A_931, %swap3A_932] : memref<2x32x8x16xf32, #tpu.memory_space<vmem>> -> memref<1x32x8x16xf32, #tpu.memory_space<vmem>>
          %swap3A_934 = tpu.memref_squeeze %swap3A_933 : memref<1x32x8x16xf32, #tpu.memory_space<vmem>> -> memref<32x8x16xf32, #tpu.memory_space<vmem>>
          %swap3A_935 = tpu.memref_reshape %swap3A_934 : memref<32x8x16xf32, #tpu.memory_space<vmem>> -> memref<256x16xf32, #tpu.memory_space<vmem>>
          %swap3A_936 = arith.index_cast %add3A_929 : i32 to index
          %swap3A_937 = arith.constant 0 : index
          %swap3A_938 = tpu.vector_load %swap3A_935[%swap3A_936, %swap3A_937] {strides = array<i32>} : memref<256x16xf32, #tpu.memory_space<vmem>>, vector<1x16xf32>,
          %swap3A_939 = vector.shape_cast %swap3A_938 : vector<1x16xf32> to vector<16xf32>
          %swap3A_940 = vector.shape_cast %get3A_923 : vector<16xf32> to vector<1x16xf32>
          tpu.vector_store %swap3A_935[%swap3A_936, %swap3A_937], %swap3A_940 {strides = array<i32>} : memref<256x16xf32, #tpu.memory_space<vmem>>, vector<1x16xf32>,
          %add3A_941 = arith.constant 3 : i32
          %add3A_942 = arith.addi %add3A_294, %add3A_941 : i32
          %get3A_943 = arith.constant 0 : i32
          %get3A_944 = arith.constant 0 : i32
          %get3A_945 = tpu.memref_slice %run_scoped3A[%rem3A_207, %get3A_943, %get3A_944] : memref<2x32x128xf32, #tpu.memory_space<vmem>> -> memref<1x32x128xf32, #tpu.memory_space<vmem>>
          %get3A_946 = tpu.memref_squeeze %get3A_945 : memref<1x32x128xf32, #tpu.memory_space<vmem>> -> memref<32x128xf32, #tpu.memory_space<vmem>>
          %get3A_947 = arith.index_cast %add3A_942 : i32 to index
          %get3A_948 = arith.constant 0 : index
          %get3A_949 = tpu.vector_load %get3A_946[%get3A_947, %get3A_948] {strides = array<i32>} : memref<32x128xf32, #tpu.memory_space<vmem>>, vector<1x16xf32>,
          %get3A_950 = vector.shape_cast %get3A_949 : vector<1x16xf32> to vector<16xf32>
          %add3A_951 = arith.constant 3 : i32
          %add3A_952 = arith.addi %add3A_294, %add3A_951 : i32
          %mul3A_953 = arith.constant 8 : i32
          %mul3A_954 = arith.muli %add3A_952, %mul3A_953 : i32
          %add3A_955 = arith.constant 0 : i32
          %add3A_956 = arith.addi %mul3A_954, %add3A_955 : i32
          %swap3A_957 = arith.constant 0 : i32
          %swap3A_958 = arith.constant 0 : i32
          %swap3A_959 = arith.constant 0 : i32
          %swap3A_960 = tpu.memref_slice %run_scoped3A_8[%rem3A_209, %swap3A_957, %swap3A_958, %swap3A_959] : memref<2x32x8x16xf32, #tpu.memory_space<vmem>> -> memref<1x32x8x16xf32, #tpu.memory_space<vmem>>
          %swap3A_961 = tpu.memref_squeeze %swap3A_960 : memref<1x32x8x16xf32, #tpu.memory_space<vmem>> -> memref<32x8x16xf32, #tpu.memory_space<vmem>>
          %swap3A_962 = tpu.memref_reshape %swap3A_961 : memref<32x8x16xf32, #tpu.memory_space<vmem>> -> memref<256x16xf32, #tpu.memory_space<vmem>>
          %swap3A_963 = arith.index_cast %add3A_956 : i32 to index
          %swap3A_964 = arith.constant 0 : index
          %swap3A_965 = tpu.vector_load %swap3A_962[%swap3A_963, %swap3A_964] {strides = array<i32>} : memref<256x16xf32, #tpu.memory_space<vmem>>, vector<1x16xf32>,
          %swap3A_966 = vector.shape_cast %swap3A_965 : vector<1x16xf32> to vector<16xf32>
          %swap3A_967 = vector.shape_cast %get3A_950 : vector<16xf32> to vector<1x16xf32>
          tpu.vector_store %swap3A_962[%swap3A_963, %swap3A_964], %swap3A_967 {strides = array<i32>} : memref<256x16xf32, #tpu.memory_space<vmem>>, vector<1x16xf32>,
          %add3A_968 = arith.constant 3 : i32
          %add3A_969 = arith.addi %add3A_294, %add3A_968 : i32
          %get3A_970 = arith.constant 0 : i32
          %get3A_971 = arith.constant 0 : i32
          %get3A_972 = tpu.memref_slice %run_scoped3A[%rem3A_207, %get3A_970, %get3A_971] : memref<2x32x128xf32, #tpu.memory_space<vmem>> -> memref<1x32x128xf32, #tpu.memory_space<vmem>>
          %get3A_973 = tpu.memref_squeeze %get3A_972 : memref<1x32x128xf32, #tpu.memory_space<vmem>> -> memref<32x128xf32, #tpu.memory_space<vmem>>
          %get3A_974 = arith.index_cast %add3A_969 : i32 to index
          %get3A_975 = arith.constant 16 : index
          %get3A_976 = tpu.vector_load %get3A_973[%get3A_974, %get3A_975] {strides = array<i32>} : memref<32x128xf32, #tpu.memory_space<vmem>>, vector<1x16xf32>,
          %get3A_977 = vector.shape_cast %get3A_976 : vector<1x16xf32> to vector<16xf32>
          %add3A_978 = arith.constant 3 : i32
          %add3A_979 = arith.addi %add3A_294, %add3A_978 : i32
          %mul3A_980 = arith.constant 8 : i32
          %mul3A_981 = arith.muli %add3A_979, %mul3A_980 : i32
          %add3A_982 = arith.constant 1 : i32
          %add3A_983 = arith.addi %mul3A_981, %add3A_982 : i32
          %swap3A_984 = arith.constant 0 : i32
          %swap3A_985 = arith.constant 0 : i32
          %swap3A_986 = arith.constant 0 : i32
          %swap3A_987 = tpu.memref_slice %run_scoped3A_8[%rem3A_209, %swap3A_984, %swap3A_985, %swap3A_986] : memref<2x32x8x16xf32, #tpu.memory_space<vmem>> -> memref<1x32x8x16xf32, #tpu.memory_space<vmem>>
          %swap3A_988 = tpu.memref_squeeze %swap3A_987 : memref<1x32x8x16xf32, #tpu.memory_space<vmem>> -> memref<32x8x16xf32, #tpu.memory_space<vmem>>
          %swap3A_989 = tpu.memref_reshape %swap3A_988 : memref<32x8x16xf32, #tpu.memory_space<vmem>> -> memref<256x16xf32, #tpu.memory_space<vmem>>
          %swap3A_990 = arith.index_cast %add3A_983 : i32 to index
          %swap3A_991 = arith.constant 0 : index
          %swap3A_992 = tpu.vector_load %swap3A_989[%swap3A_990, %swap3A_991] {strides = array<i32>} : memref<256x16xf32, #tpu.memory_space<vmem>>, vector<1x16xf32>,
          %swap3A_993 = vector.shape_cast %swap3A_992 : vector<1x16xf32> to vector<16xf32>
          %swap3A_994 = vector.shape_cast %get3A_977 : vector<16xf32> to vector<1x16xf32>
          tpu.vector_store %swap3A_989[%swap3A_990, %swap3A_991], %swap3A_994 {strides = array<i32>} : memref<256x16xf32, #tpu.memory_space<vmem>>, vector<1x16xf32>,
          %add3A_995 = arith.constant 3 : i32
          %add3A_996 = arith.addi %add3A_294, %add3A_995 : i32
          %get3A_997 = arith.constant 0 : i32
          %get3A_998 = arith.constant 0 : i32
          %get3A_999 = tpu.memref_slice %run_scoped3A[%rem3A_207, %get3A_997, %get3A_998] : memref<2x32x128xf32, #tpu.memory_space<vmem>> -> memref<1x32x128xf32, #tpu.memory_space<vmem>>
          %get3A_1000 = tpu.memref_squeeze %get3A_999 : memref<1x32x128xf32, #tpu.memory_space<vmem>> -> memref<32x128xf32, #tpu.memory_space<vmem>>
          %get3A_1001 = arith.index_cast %add3A_996 : i32 to index
          %get3A_1002 = arith.constant 32 : index
          %get3A_1003 = tpu.vector_load %get3A_1000[%get3A_1001, %get3A_1002] {strides = array<i32>} : memref<32x128xf32, #tpu.memory_space<vmem>>, vector<1x16xf32>,
          %get3A_1004 = vector.shape_cast %get3A_1003 : vector<1x16xf32> to vector<16xf32>
          %add3A_1005 = arith.constant 3 : i32
          %add3A_1006 = arith.addi %add3A_294, %add3A_1005 : i32
          %mul3A_1007 = arith.constant 8 : i32
          %mul3A_1008 = arith.muli %add3A_1006, %mul3A_1007 : i32
          %add3A_1009 = arith.constant 2 : i32
          %add3A_1010 = arith.addi %mul3A_1008, %add3A_1009 : i32
          %swap3A_1011 = arith.constant 0 : i32
          %swap3A_1012 = arith.constant 0 : i32
          %swap3A_1013 = arith.constant 0 : i32
          %swap3A_1014 = tpu.memref_slice %run_scoped3A_8[%rem3A_209, %swap3A_1011, %swap3A_1012, %swap3A_1013] : memref<2x32x8x16xf32, #tpu.memory_space<vmem>> -> memref<1x32x8x16xf32, #tpu.memory_space<vmem>>
          %swap3A_1015 = tpu.memref_squeeze %swap3A_1014 : memref<1x32x8x16xf32, #tpu.memory_space<vmem>> -> memref<32x8x16xf32, #tpu.memory_space<vmem>>
          %swap3A_1016 = tpu.memref_reshape %swap3A_1015 : memref<32x8x16xf32, #tpu.memory_space<vmem>> -> memref<256x16xf32, #tpu.memory_space<vmem>>
          %swap3A_1017 = arith.index_cast %add3A_1010 : i32 to index
          %swap3A_1018 = arith.constant 0 : index
          %swap3A_1019 = tpu.vector_load %swap3A_1016[%swap3A_1017, %swap3A_1018] {strides = array<i32>} : memref<256x16xf32, #tpu.memory_space<vmem>>, vector<1x16xf32>,
          %swap3A_1020 = vector.shape_cast %swap3A_1019 : vector<1x16xf32> to vector<16xf32>
          %swap3A_1021 = vector.shape_cast %get3A_1004 : vector<16xf32> to vector<1x16xf32>
          tpu.vector_store %swap3A_1016[%swap3A_1017, %swap3A_1018], %swap3A_1021 {strides = array<i32>} : memref<256x16xf32, #tpu.memory_space<vmem>>, vector<1x16xf32>,
          %add3A_1022 = arith.constant 3 : i32
          %add3A_1023 = arith.addi %add3A_294, %add3A_1022 : i32
          %get3A_1024 = arith.constant 0 : i32
          %get3A_1025 = arith.constant 0 : i32
          %get3A_1026 = tpu.memref_slice %run_scoped3A[%rem3A_207, %get3A_1024, %get3A_1025] : memref<2x32x128xf32, #tpu.memory_space<vmem>> -> memref<1x32x128xf32, #tpu.memory_space<vmem>>
          %get3A_1027 = tpu.memref_squeeze %get3A_1026 : memref<1x32x128xf32, #tpu.memory_space<vmem>> -> memref<32x128xf32, #tpu.memory_space<vmem>>
          %get3A_1028 = arith.index_cast %add3A_1023 : i32 to index
          %get3A_1029 = arith.constant 48 : index
          %get3A_1030 = tpu.vector_load %get3A_1027[%get3A_1028, %get3A_1029] {strides = array<i32>} : memref<32x128xf32, #tpu.memory_space<vmem>>, vector<1x16xf32>,
          %get3A_1031 = vector.shape_cast %get3A_1030 : vector<1x16xf32> to vector<16xf32>
          %add3A_1032 = arith.constant 3 : i32
          %add3A_1033 = arith.addi %add3A_294, %add3A_1032 : i32
          %mul3A_1034 = arith.constant 8 : i32
          %mul3A_1035 = arith.muli %add3A_1033, %mul3A_1034 : i32
          %add3A_1036 = arith.constant 3 : i32
          %add3A_1037 = arith.addi %mul3A_1035, %add3A_1036 : i32
          %swap3A_1038 = arith.constant 0 : i32
          %swap3A_1039 = arith.constant 0 : i32
          %swap3A_1040 = arith.constant 0 : i32
          %swap3A_1041 = tpu.memref_slice %run_scoped3A_8[%rem3A_209, %swap3A_1038, %swap3A_1039, %swap3A_1040] : memref<2x32x8x16xf32, #tpu.memory_space<vmem>> -> memref<1x32x8x16xf32, #tpu.memory_space<vmem>>
          %swap3A_1042 = tpu.memref_squeeze %swap3A_1041 : memref<1x32x8x16xf32, #tpu.memory_space<vmem>> -> memref<32x8x16xf32, #tpu.memory_space<vmem>>
          %swap3A_1043 = tpu.memref_reshape %swap3A_1042 : memref<32x8x16xf32, #tpu.memory_space<vmem>> -> memref<256x16xf32, #tpu.memory_space<vmem>>
          %swap3A_1044 = arith.index_cast %add3A_1037 : i32 to index
          %swap3A_1045 = arith.constant 0 : index
          %swap3A_1046 = tpu.vector_load %swap3A_1043[%swap3A_1044, %swap3A_1045] {strides = array<i32>} : memref<256x16xf32, #tpu.memory_space<vmem>>, vector<1x16xf32>,
          %swap3A_1047 = vector.shape_cast %swap3A_1046 : vector<1x16xf32> to vector<16xf32>
          %swap3A_1048 = vector.shape_cast %get3A_1031 : vector<16xf32> to vector<1x16xf32>
          tpu.vector_store %swap3A_1043[%swap3A_1044, %swap3A_1045], %swap3A_1048 {strides = array<i32>} : memref<256x16xf32, #tpu.memory_space<vmem>>, vector<1x16xf32>,
          %add3A_1049 = arith.constant 3 : i32
          %add3A_1050 = arith.addi %add3A_294, %add3A_1049 : i32
          %get3A_1051 = arith.constant 0 : i32
          %get3A_1052 = arith.constant 0 : i32
          %get3A_1053 = tpu.memref_slice %run_scoped3A[%rem3A_207, %get3A_1051, %get3A_1052] : memref<2x32x128xf32, #tpu.memory_space<vmem>> -> memref<1x32x128xf32, #tpu.memory_space<vmem>>
          %get3A_1054 = tpu.memref_squeeze %get3A_1053 : memref<1x32x128xf32, #tpu.memory_space<vmem>> -> memref<32x128xf32, #tpu.memory_space<vmem>>
          %get3A_1055 = arith.index_cast %add3A_1050 : i32 to index
          %get3A_1056 = arith.constant 64 : index
          %get3A_1057 = tpu.vector_load %get3A_1054[%get3A_1055, %get3A_1056] {strides = array<i32>} : memref<32x128xf32, #tpu.memory_space<vmem>>, vector<1x16xf32>,
          %get3A_1058 = vector.shape_cast %get3A_1057 : vector<1x16xf32> to vector<16xf32>
          %add3A_1059 = arith.constant 3 : i32
          %add3A_1060 = arith.addi %add3A_294, %add3A_1059 : i32
          %mul3A_1061 = arith.constant 8 : i32
          %mul3A_1062 = arith.muli %add3A_1060, %mul3A_1061 : i32
          %add3A_1063 = arith.constant 4 : i32
          %add3A_1064 = arith.addi %mul3A_1062, %add3A_1063 : i32
          %swap3A_1065 = arith.constant 0 : i32
          %swap3A_1066 = arith.constant 0 : i32
          %swap3A_1067 = arith.constant 0 : i32
          %swap3A_1068 = tpu.memref_slice %run_scoped3A_8[%rem3A_209, %swap3A_1065, %swap3A_1066, %swap3A_1067] : memref<2x32x8x16xf32, #tpu.memory_space<vmem>> -> memref<1x32x8x16xf32, #tpu.memory_space<vmem>>
          %swap3A_1069 = tpu.memref_squeeze %swap3A_1068 : memref<1x32x8x16xf32, #tpu.memory_space<vmem>> -> memref<32x8x16xf32, #tpu.memory_space<vmem>>
          %swap3A_1070 = tpu.memref_reshape %swap3A_1069 : memref<32x8x16xf32, #tpu.memory_space<vmem>> -> memref<256x16xf32, #tpu.memory_space<vmem>>
          %swap3A_1071 = arith.index_cast %add3A_1064 : i32 to index
          %swap3A_1072 = arith.constant 0 : index
          %swap3A_1073 = tpu.vector_load %swap3A_1070[%swap3A_1071, %swap3A_1072] {strides = array<i32>} : memref<256x16xf32, #tpu.memory_space<vmem>>, vector<1x16xf32>,
          %swap3A_1074 = vector.shape_cast %swap3A_1073 : vector<1x16xf32> to vector<16xf32>
          %swap3A_1075 = vector.shape_cast %get3A_1058 : vector<16xf32> to vector<1x16xf32>
          tpu.vector_store %swap3A_1070[%swap3A_1071, %swap3A_1072], %swap3A_1075 {strides = array<i32>} : memref<256x16xf32, #tpu.memory_space<vmem>>, vector<1x16xf32>,
          %add3A_1076 = arith.constant 3 : i32
          %add3A_1077 = arith.addi %add3A_294, %add3A_1076 : i32
          %get3A_1078 = arith.constant 0 : i32
          %get3A_1079 = arith.constant 0 : i32
          %get3A_1080 = tpu.memref_slice %run_scoped3A[%rem3A_207, %get3A_1078, %get3A_1079] : memref<2x32x128xf32, #tpu.memory_space<vmem>> -> memref<1x32x128xf32, #tpu.memory_space<vmem>>
          %get3A_1081 = tpu.memref_squeeze %get3A_1080 : memref<1x32x128xf32, #tpu.memory_space<vmem>> -> memref<32x128xf32, #tpu.memory_space<vmem>>
          %get3A_1082 = arith.index_cast %add3A_1077 : i32 to index
          %get3A_1083 = arith.constant 80 : index
          %get3A_1084 = tpu.vector_load %get3A_1081[%get3A_1082, %get3A_1083] {strides = array<i32>} : memref<32x128xf32, #tpu.memory_space<vmem>>, vector<1x16xf32>,
          %get3A_1085 = vector.shape_cast %get3A_1084 : vector<1x16xf32> to vector<16xf32>
          %add3A_1086 = arith.constant 3 : i32
          %add3A_1087 = arith.addi %add3A_294, %add3A_1086 : i32
          %mul3A_1088 = arith.constant 8 : i32
          %mul3A_1089 = arith.muli %add3A_1087, %mul3A_1088 : i32
          %add3A_1090 = arith.constant 5 : i32
          %add3A_1091 = arith.addi %mul3A_1089, %add3A_1090 : i32
          %swap3A_1092 = arith.constant 0 : i32
          %swap3A_1093 = arith.constant 0 : i32
          %swap3A_1094 = arith.constant 0 : i32
          %swap3A_1095 = tpu.memref_slice %run_scoped3A_8[%rem3A_209, %swap3A_1092, %swap3A_1093, %swap3A_1094] : memref<2x32x8x16xf32, #tpu.memory_space<vmem>> -> memref<1x32x8x16xf32, #tpu.memory_space<vmem>>
          %swap3A_1096 = tpu.memref_squeeze %swap3A_1095 : memref<1x32x8x16xf32, #tpu.memory_space<vmem>> -> memref<32x8x16xf32, #tpu.memory_space<vmem>>
          %swap3A_1097 = tpu.memref_reshape %swap3A_1096 : memref<32x8x16xf32, #tpu.memory_space<vmem>> -> memref<256x16xf32, #tpu.memory_space<vmem>>
          %swap3A_1098 = arith.index_cast %add3A_1091 : i32 to index
          %swap3A_1099 = arith.constant 0 : index
          %swap3A_1100 = tpu.vector_load %swap3A_1097[%swap3A_1098, %swap3A_1099] {strides = array<i32>} : memref<256x16xf32, #tpu.memory_space<vmem>>, vector<1x16xf32>,
          %swap3A_1101 = vector.shape_cast %swap3A_1100 : vector<1x16xf32> to vector<16xf32>
          %swap3A_1102 = vector.shape_cast %get3A_1085 : vector<16xf32> to vector<1x16xf32>
          tpu.vector_store %swap3A_1097[%swap3A_1098, %swap3A_1099], %swap3A_1102 {strides = array<i32>} : memref<256x16xf32, #tpu.memory_space<vmem>>, vector<1x16xf32>,
          %add3A_1103 = arith.constant 3 : i32
          %add3A_1104 = arith.addi %add3A_294, %add3A_1103 : i32
          %get3A_1105 = arith.constant 0 : i32
          %get3A_1106 = arith.constant 0 : i32
          %get3A_1107 = tpu.memref_slice %run_scoped3A[%rem3A_207, %get3A_1105, %get3A_1106] : memref<2x32x128xf32, #tpu.memory_space<vmem>> -> memref<1x32x128xf32, #tpu.memory_space<vmem>>
          %get3A_1108 = tpu.memref_squeeze %get3A_1107 : memref<1x32x128xf32, #tpu.memory_space<vmem>> -> memref<32x128xf32, #tpu.memory_space<vmem>>
          %get3A_1109 = arith.index_cast %add3A_1104 : i32 to index
          %get3A_1110 = arith.constant 96 : index
          %get3A_1111 = tpu.vector_load %get3A_1108[%get3A_1109, %get3A_1110] {strides = array<i32>} : memref<32x128xf32, #tpu.memory_space<vmem>>, vector<1x16xf32>,
          %get3A_1112 = vector.shape_cast %get3A_1111 : vector<1x16xf32> to vector<16xf32>
          %add3A_1113 = arith.constant 3 : i32
          %add3A_1114 = arith.addi %add3A_294, %add3A_1113 : i32
          %mul3A_1115 = arith.constant 8 : i32
          %mul3A_1116 = arith.muli %add3A_1114, %mul3A_1115 : i32
          %add3A_1117 = arith.constant 6 : i32
          %add3A_1118 = arith.addi %mul3A_1116, %add3A_1117 : i32
          %swap3A_1119 = arith.constant 0 : i32
          %swap3A_1120 = arith.constant 0 : i32
          %swap3A_1121 = arith.constant 0 : i32
          %swap3A_1122 = tpu.memref_slice %run_scoped3A_8[%rem3A_209, %swap3A_1119, %swap3A_1120, %swap3A_1121] : memref<2x32x8x16xf32, #tpu.memory_space<vmem>> -> memref<1x32x8x16xf32, #tpu.memory_space<vmem>>
          %swap3A_1123 = tpu.memref_squeeze %swap3A_1122 : memref<1x32x8x16xf32, #tpu.memory_space<vmem>> -> memref<32x8x16xf32, #tpu.memory_space<vmem>>
          %swap3A_1124 = tpu.memref_reshape %swap3A_1123 : memref<32x8x16xf32, #tpu.memory_space<vmem>> -> memref<256x16xf32, #tpu.memory_space<vmem>>
          %swap3A_1125 = arith.index_cast %add3A_1118 : i32 to index
          %swap3A_1126 = arith.constant 0 : index
          %swap3A_1127 = tpu.vector_load %swap3A_1124[%swap3A_1125, %swap3A_1126] {strides = array<i32>} : memref<256x16xf32, #tpu.memory_space<vmem>>, vector<1x16xf32>,
          %swap3A_1128 = vector.shape_cast %swap3A_1127 : vector<1x16xf32> to vector<16xf32>
          %swap3A_1129 = vector.shape_cast %get3A_1112 : vector<16xf32> to vector<1x16xf32>
          tpu.vector_store %swap3A_1124[%swap3A_1125, %swap3A_1126], %swap3A_1129 {strides = array<i32>} : memref<256x16xf32, #tpu.memory_space<vmem>>, vector<1x16xf32>,
          %add3A_1130 = arith.constant 3 : i32
          %add3A_1131 = arith.addi %add3A_294, %add3A_1130 : i32
          %get3A_1132 = arith.constant 0 : i32
          %get3A_1133 = arith.constant 0 : i32
          %get3A_1134 = tpu.memref_slice %run_scoped3A[%rem3A_207, %get3A_1132, %get3A_1133] : memref<2x32x128xf32, #tpu.memory_space<vmem>> -> memref<1x32x128xf32, #tpu.memory_space<vmem>>
          %get3A_1135 = tpu.memref_squeeze %get3A_1134 : memref<1x32x128xf32, #tpu.memory_space<vmem>> -> memref<32x128xf32, #tpu.memory_space<vmem>>
          %get3A_1136 = arith.index_cast %add3A_1131 : i32 to index
          %get3A_1137 = arith.constant 112 : index
          %get3A_1138 = tpu.vector_load %get3A_1135[%get3A_1136, %get3A_1137] {strides = array<i32>} : memref<32x128xf32, #tpu.memory_space<vmem>>, vector<1x16xf32>,
          %get3A_1139 = vector.shape_cast %get3A_1138 : vector<1x16xf32> to vector<16xf32>
          %add3A_1140 = arith.constant 3 : i32
          %add3A_1141 = arith.addi %add3A_294, %add3A_1140 : i32
          %mul3A_1142 = arith.constant 8 : i32
          %mul3A_1143 = arith.muli %add3A_1141, %mul3A_1142 : i32
          %add3A_1144 = arith.constant 7 : i32
          %add3A_1145 = arith.addi %mul3A_1143, %add3A_1144 : i32
          %swap3A_1146 = arith.constant 0 : i32
          %swap3A_1147 = arith.constant 0 : i32
          %swap3A_1148 = arith.constant 0 : i32
          %swap3A_1149 = tpu.memref_slice %run_scoped3A_8[%rem3A_209, %swap3A_1146, %swap3A_1147, %swap3A_1148] : memref<2x32x8x16xf32, #tpu.memory_space<vmem>> -> memref<1x32x8x16xf32, #tpu.memory_space<vmem>>
          %swap3A_1150 = tpu.memref_squeeze %swap3A_1149 : memref<1x32x8x16xf32, #tpu.memory_space<vmem>> -> memref<32x8x16xf32, #tpu.memory_space<vmem>>
          %swap3A_1151 = tpu.memref_reshape %swap3A_1150 : memref<32x8x16xf32, #tpu.memory_space<vmem>> -> memref<256x16xf32, #tpu.memory_space<vmem>>
          %swap3A_1152 = arith.index_cast %add3A_1145 : i32 to index
          %swap3A_1153 = arith.constant 0 : index
          %swap3A_1154 = tpu.vector_load %swap3A_1151[%swap3A_1152, %swap3A_1153] {strides = array<i32>} : memref<256x16xf32, #tpu.memory_space<vmem>>, vector<1x16xf32>,
          %swap3A_1155 = vector.shape_cast %swap3A_1154 : vector<1x16xf32> to vector<16xf32>
          %swap3A_1156 = vector.shape_cast %get3A_1139 : vector<16xf32> to vector<1x16xf32>
          tpu.vector_store %swap3A_1151[%swap3A_1152, %swap3A_1153], %swap3A_1156 {strides = array<i32>} : memref<256x16xf32, #tpu.memory_space<vmem>>, vector<1x16xf32>,
        }
        %scan3A_214 = arith.constant 8 : i32
        "tpu.trace_stop"() : () -> ()
        %ne3A_215 = arith.cmpi ne, %add3A_135, %add3A_153 : i32
        %or3A_216 = arith.constant false
        %or3A_217 = arith.ori %or3A_216, %ne3A_215 : i1
        %or3A_218 = arith.constant false
        %or3A_219 = arith.ori %or3A_217, %or3A_218 : i1
        %or3A_220 = arith.ori %or3A_219, %eq3A_134 : i1
        %convert_element_type3A_221 = arith.extui %or3A_220 : i1 to i32
        %cond3A_222 = arith.constant 0 : i32
        %cond3A_223 = arith.cmpi ne, %convert_element_type3A_221, %cond3A_222 : i32
        scf.if %cond3A_223 {
        } else {
        }
        %and3A_224 = arith.constant false
        %and3A_225 = arith.andi %or3A_220, %and3A_224 : i1
        %ne3A_226 = arith.cmpi ne, %add3A_135, %add3A_153 : i32
        %or3A_227 = arith.constant false
        %or3A_228 = arith.ori %or3A_227, %ne3A_226 : i1
        %or3A_229 = arith.constant false
        %or3A_230 = arith.ori %or3A_228, %or3A_229 : i1
        %or3A_231 = arith.constant false
        %or3A_232 = arith.ori %or3A_230, %or3A_231 : i1
        %or3A_233 = arith.ori %or3A_232, %eq3A_134 : i1
        %convert_element_type3A_234 = arith.extui %or3A_233 : i1 to i32
        %cond3A_235 = arith.constant 0 : i32
        %cond3A_236 = arith.cmpi ne, %convert_element_type3A_234, %cond3A_235 : i32
        scf.if %cond3A_236 {
          "tpu.trace_start"() <{level = 10 : i32, message = "ep_copy_out"}> : () -> ()
          %rem3A_290 = arith.constant 2 : i32
          %rem3A_291 = arith.remui %scan3A_128, %rem3A_290 : i32
          %mul3A_292 = arith.constant 32 : i32
          %mul3A_293 = arith.muli %mul3A_292, %add3A_135 : i32
          %dma_start3A_294 = arith.constant 0 : i32
          %dma_start3A_295 = arith.constant 0 : i32
          %dma_start3A_296 = arith.constant 0 : i32
          %dma_start3A_297 = tpu.memref_slice %run_scoped3A_8[%rem3A_291, %dma_start3A_294, %dma_start3A_295, %dma_start3A_296] : memref<2x32x8x16xf32, #tpu.memory_space<vmem>> -> memref<1x32x8x16xf32, #tpu.memory_space<vmem>>
          %dma_start3A_298 = tpu.memref_squeeze %dma_start3A_297 : memref<1x32x8x16xf32, #tpu.memory_space<vmem>> -> memref<32x8x16xf32, #tpu.memory_space<vmem>>
          %dma_start3A_299 = arith.constant 0 : i32
          %dma_start3A_300 = arith.constant 0 : i32
          %dma_start3A_301 = tpu.memref_slice %arg3[%mul3A_293, %dma_start3A_299, %dma_start3A_300] : memref<106496x8x16xf32, #tpu.memory_space<hbm>> -> memref<32x8x16xf32, #tpu.memory_space<hbm>>
          %dma_start3A_302 = tpu.memref_slice %run_scoped3A_9[%rem3A_291] : memref<2x!tpu.dma_semaphore, #tpu.memory_space<semaphore_mem>> -> memref<1x!tpu.dma_semaphore, #tpu.memory_space<semaphore_mem>>
          %dma_start3A_303 = tpu.memref_squeeze %dma_start3A_302 : memref<1x!tpu.dma_semaphore, #tpu.memory_space<semaphore_mem>> -> memref<!tpu.dma_semaphore, #tpu.memory_space<semaphore_mem>>
          %dma_start3A_304 = arith.constant 0 : i32
          %dma_start3A_305 = arith.constant 0 : i32
          %dma_start3A_306 = tpu.memref_slice %arg3[%mul3A_293, %dma_start3A_304, %dma_start3A_305] : memref<106496x8x16xf32, #tpu.memory_space<hbm>> -> memref<32x8x16xf32, #tpu.memory_space<hbm>>
          %dma_start3A_307 = arith.constant 0 : i32
          %dma_start3A_308 = arith.constant 0 : i32
          %dma_start3A_309 = arith.constant 0 : i32
          %dma_start3A_310 = tpu.memref_slice %run_scoped3A_8[%rem3A_291, %dma_start3A_307, %dma_start3A_308, %dma_start3A_309] : memref<2x32x8x16xf32, #tpu.memory_space<vmem>> -> memref<1x32x8x16xf32, #tpu.memory_space<vmem>>
          %dma_start3A_311 = tpu.memref_squeeze %dma_start3A_310 : memref<1x32x8x16xf32, #tpu.memory_space<vmem>> -> memref<32x8x16xf32, #tpu.memory_space<vmem>>
          tpu.enqueue_dma source(%dma_start3A_311 : memref<32x8x16xf32, #tpu.memory_space<vmem>>) target(%dma_start3A_306 : memref<32x8x16xf32, #tpu.memory_space<hbm>>) target_semaphore(%dma_start3A_303 : memref<!tpu.dma_semaphore, #tpu.memory_space<semaphore_mem>>)
          "tpu.trace_stop"() : () -> ()
        } else {
        }
        %and3A_237 = arith.constant true
        %and3A_238 = arith.andi %or3A_233, %and3A_237 : i1
        %add3A_239 = arith.constant 1 : i32
        %add3A_240 = arith.addi %scan3A_128, %add3A_239 : i32
        %select_n3A_241 = arith.select %and3A_238, %add3A_240, %scan3A_128 : i32
        %ne3A_242 = arith.cmpi ne, %add3A_135, %add3A_144 : i32
        %or3A_243 = arith.constant false
        %or3A_244 = arith.ori %or3A_243, %ne3A_242 : i1
        %or3A_245 = arith.constant false
        %or3A_246 = arith.ori %or3A_244, %or3A_245 : i1
        %not3A_247 = arith.constant true
        %not3A_248 = arith.xori %eq3A_132, %not3A_247 : i1
        %and3A_249 = arith.andi %or3A_246, %not3A_248 : i1
        %convert_element_type3A_250 = arith.extui %and3A_249 : i1 to i32
        %cond3A_251 = arith.constant 0 : i32
        %cond3A_252 = arith.cmpi ne, %convert_element_type3A_250, %cond3A_251 : i32
        scf.if %cond3A_252 {
        } else {
        }
        %and3A_253 = arith.constant false
        %and3A_254 = arith.andi %and3A_249, %and3A_253 : i1
        %ne3A_255 = arith.cmpi ne, %add3A_135, %add3A_144 : i32
        %or3A_256 = arith.constant false
        %or3A_257 = arith.ori %or3A_256, %ne3A_255 : i1
        %or3A_258 = arith.constant false
        %or3A_259 = arith.ori %or3A_257, %or3A_258 : i1
        %or3A_260 = arith.constant false
        %or3A_261 = arith.ori %or3A_259, %or3A_260 : i1
        %not3A_262 = arith.constant true
        %not3A_263 = arith.xori %eq3A_132, %not3A_262 : i1
        %and3A_264 = arith.andi %or3A_261, %not3A_263 : i1
        %convert_element_type3A_265 = arith.extui %and3A_264 : i1 to i32
        %cond3A_266 = arith.constant 0 : i32
        %cond3A_267 = arith.cmpi ne, %convert_element_type3A_265, %cond3A_266 : i32
        scf.if %cond3A_267 {
          "tpu.trace_start"() <{level = 10 : i32, message = "ep_wait_out"}> : () -> ()
          %rem3A_290 = arith.constant 2 : i32
          %rem3A_291 = arith.remui %scan3A_129, %rem3A_290 : i32
          %mul3A_292 = arith.constant 32 : i32
          %mul3A_293 = arith.muli %mul3A_292, %add3A_144 : i32
          %dma_wait3A_294 = arith.constant 0 : i32
          %dma_wait3A_295 = arith.constant 0 : i32
          %dma_wait3A_296 = arith.constant 0 : i32
          %dma_wait3A_297 = tpu.memref_slice %run_scoped3A_8[%rem3A_291, %dma_wait3A_294, %dma_wait3A_295, %dma_wait3A_296] : memref<2x32x8x16xf32, #tpu.memory_space<vmem>> -> memref<1x32x8x16xf32, #tpu.memory_space<vmem>>
          %dma_wait3A_298 = tpu.memref_squeeze %dma_wait3A_297 : memref<1x32x8x16xf32, #tpu.memory_space<vmem>> -> memref<32x8x16xf32, #tpu.memory_space<vmem>>
          %dma_wait3A_299 = arith.constant 0 : i32
          %dma_wait3A_300 = arith.constant 0 : i32
          %dma_wait3A_301 = tpu.memref_slice %arg3[%mul3A_293, %dma_wait3A_299, %dma_wait3A_300] : memref<106496x8x16xf32, #tpu.memory_space<hbm>> -> memref<32x8x16xf32, #tpu.memory_space<hbm>>
          %dma_wait3A_302 = tpu.memref_slice %run_scoped3A_9[%rem3A_291] : memref<2x!tpu.dma_semaphore, #tpu.memory_space<semaphore_mem>> -> memref<1x!tpu.dma_semaphore, #tpu.memory_space<semaphore_mem>>
          %dma_wait3A_303 = tpu.memref_squeeze %dma_wait3A_302 : memref<1x!tpu.dma_semaphore, #tpu.memory_space<semaphore_mem>> -> memref<!tpu.dma_semaphore, #tpu.memory_space<semaphore_mem>>
          %dma_wait3A_304 = arith.constant 0 : i32
          %dma_wait3A_305 = arith.constant 0 : i32
          %dma_wait3A_306 = tpu.memref_slice %arg3[%mul3A_293, %dma_wait3A_304, %dma_wait3A_305] : memref<106496x8x16xf32, #tpu.memory_space<hbm>> -> memref<32x8x16xf32, #tpu.memory_space<hbm>>
          %dma_wait3A_307 = arith.constant 0 : i32
          %dma_wait3A_308 = arith.constant 0 : i32
          %dma_wait3A_309 = arith.constant 0 : i32
          %dma_wait3A_310 = tpu.memref_slice %run_scoped3A_8[%rem3A_291, %dma_wait3A_307, %dma_wait3A_308, %dma_wait3A_309] : memref<2x32x8x16xf32, #tpu.memory_space<vmem>> -> memref<1x32x8x16xf32, #tpu.memory_space<vmem>>
          %dma_wait3A_311 = tpu.memref_squeeze %dma_wait3A_310 : memref<1x32x8x16xf32, #tpu.memory_space<vmem>> -> memref<32x8x16xf32, #tpu.memory_space<vmem>>
          tpu.wait_dma2 semaphore(%dma_wait3A_303 : memref<!tpu.dma_semaphore, #tpu.memory_space<semaphore_mem>>) src(%dma_wait3A_311 : memref<32x8x16xf32, #tpu.memory_space<vmem>>) dst(%dma_wait3A_306 : memref<32x8x16xf32, #tpu.memory_space<hbm>>)
          "tpu.trace_stop"() : () -> ()
        } else {
        }
        %and3A_268 = arith.constant true
        %and3A_269 = arith.andi %and3A_264, %and3A_268 : i1
        %add3A_270 = arith.constant 1 : i32
        %add3A_271 = arith.addi %scan3A_129, %add3A_270 : i32
        %select_n3A_272 = arith.select %and3A_269, %add3A_271, %scan3A_129 : i32
        %ne3A_273 = arith.cmpi ne, %add3A_135, %add3A_153 : i32
        %or3A_274 = arith.constant false
        %or3A_275 = arith.ori %or3A_274, %ne3A_273 : i1
        %or3A_276 = arith.constant false
        %or3A_277 = arith.ori %or3A_275, %or3A_276 : i1
        %or3A_278 = arith.ori %or3A_277, %eq3A_134 : i1
        %add3A_279 = arith.constant 1 : i32
        %add3A_280 = arith.addi %scan3A_127, %add3A_279 : i32
        %select_n3A_281 = arith.select %or3A_278, %add3A_280, %scan3A_127 : i32
        %add3A_282 = arith.constant 1 : i32
        %add3A_283 = arith.addi %scan3A_130, %add3A_282 : i32
        %select_n3A_284 = arith.constant true
        %select_n3A_285 = arith.select %select_n3A_284, %add3A_283, %scan3A_130 : i32
        %eq3A_286 = arith.constant 104 : i32
        %eq3A_287 = arith.cmpi eq, %select_n3A_285, %eq3A_286 : i32
        %select_n3A_288 = arith.constant 0 : i32
        %select_n3A_289 = arith.select %eq3A_287, %select_n3A_288, %select_n3A_285 : i32
        scf.yield %select_n3A_173, %select_n3A_281, %select_n3A_241, %select_n3A_272, %select_n3A_289 : i32, i32, i32, i32, i32
      }
      %scan3A_68 = arith.constant 104 : i32
      %sub3A = arith.constant 1 : i32
      %sub3A_69 = arith.subi %scan3A_67#4, %sub3A : i32
      %select_n3A_70 = arith.constant true
      %select_n3A_71 = arith.select %select_n3A_70, %sub3A_69, %scan3A_67#4 : i32
      %eq3A_72 = arith.constant -1 : i32
      %eq3A_73 = arith.cmpi eq, %select_n3A_71, %eq3A_72 : i32
      %select_n3A_74 = arith.constant 103 : i32
      %select_n3A_75 = arith.select %eq3A_73, %select_n3A_74, %select_n3A_71 : i32
      %add3A_76 = arith.addi %select_n3A_75, %mul3A_6 : i32
      %sub3A_77 = arith.constant 1 : i32
      %sub3A_78 = arith.subi %select_n3A_75, %sub3A_77 : i32
      %select_n3A_79 = arith.constant true
      %select_n3A_80 = arith.select %select_n3A_79, %sub3A_78, %select_n3A_75 : i32
      %eq3A_81 = arith.constant -1 : i32
      %eq3A_82 = arith.cmpi eq, %select_n3A_80, %eq3A_81 : i32
      %select_n3A_83 = arith.constant 103 : i32
      %select_n3A_84 = arith.select %eq3A_82, %select_n3A_83, %select_n3A_80 : i32
      %add3A_85 = arith.addi %select_n3A_84, %mul3A_6 : i32
      %add3A_86 = arith.constant 1 : i32
      %add3A_87 = arith.addi %select_n3A_75, %add3A_86 : i32
      %select_n3A_88 = arith.constant true
      %select_n3A_89 = arith.select %select_n3A_88, %add3A_87, %select_n3A_75 : i32
      %eq3A_90 = arith.constant 104 : i32
      %eq3A_91 = arith.cmpi eq, %select_n3A_89, %eq3A_90 : i32
      %select_n3A_92 = arith.constant 0 : i32
      %select_n3A_93 = arith.select %eq3A_91, %select_n3A_92, %select_n3A_89 : i32
      %add3A_94 = arith.addi %select_n3A_93, %mul3A_6 : i32
      %add3A_95 = arith.constant 1 : i32
      %add3A_96 = arith.addi %select_n3A_93, %add3A_95 : i32
      %select_n3A_97 = arith.constant true
      %select_n3A_98 = arith.select %select_n3A_97, %add3A_96, %select_n3A_93 : i32
      %eq3A_99 = arith.constant 104 : i32
      %eq3A_100 = arith.cmpi eq, %select_n3A_98, %eq3A_99 : i32
      %select_n3A_101 = arith.constant 0 : i32
      %select_n3A_102 = arith.select %eq3A_100, %select_n3A_101, %select_n3A_98 : i32
      %add3A_103 = arith.addi %select_n3A_102, %mul3A_6 : i32
      "tpu.trace_start"() <{level = 10 : i32, message = "ep_finalize"}> : () -> ()
      %rem3A_104 = arith.constant 2 : i32
      %rem3A_105 = arith.remui %scan3A_67#3, %rem3A_104 : i32
      %mul3A_106 = arith.constant 32 : i32
      %mul3A_107 = arith.muli %mul3A_106, %add3A_76 : i32
      %dma_wait3A = arith.constant 0 : i32
      %dma_wait3A_108 = arith.constant 0 : i32
      %dma_wait3A_109 = arith.constant 0 : i32
      %dma_wait3A_110 = tpu.memref_slice %run_scoped3A_8[%rem3A_105, %dma_wait3A, %dma_wait3A_108, %dma_wait3A_109] : memref<2x32x8x16xf32, #tpu.memory_space<vmem>> -> memref<1x32x8x16xf32, #tpu.memory_space<vmem>>
      %dma_wait3A_111 = tpu.memref_squeeze %dma_wait3A_110 : memref<1x32x8x16xf32, #tpu.memory_space<vmem>> -> memref<32x8x16xf32, #tpu.memory_space<vmem>>
      %dma_wait3A_112 = arith.constant 0 : i32
      %dma_wait3A_113 = arith.constant 0 : i32
      %dma_wait3A_114 = tpu.memref_slice %arg3[%mul3A_107, %dma_wait3A_112, %dma_wait3A_113] : memref<106496x8x16xf32, #tpu.memory_space<hbm>> -> memref<32x8x16xf32, #tpu.memory_space<hbm>>
      %dma_wait3A_115 = tpu.memref_slice %run_scoped3A_9[%rem3A_105] : memref<2x!tpu.dma_semaphore, #tpu.memory_space<semaphore_mem>> -> memref<1x!tpu.dma_semaphore, #tpu.memory_space<semaphore_mem>>
      %dma_wait3A_116 = tpu.memref_squeeze %dma_wait3A_115 : memref<1x!tpu.dma_semaphore, #tpu.memory_space<semaphore_mem>> -> memref<!tpu.dma_semaphore, #tpu.memory_space<semaphore_mem>>
      %dma_wait3A_117 = arith.constant 0 : i32
      %dma_wait3A_118 = arith.constant 0 : i32
      %dma_wait3A_119 = tpu.memref_slice %arg3[%mul3A_107, %dma_wait3A_117, %dma_wait3A_118] : memref<106496x8x16xf32, #tpu.memory_space<hbm>> -> memref<32x8x16xf32, #tpu.memory_space<hbm>>
      %dma_wait3A_120 = arith.constant 0 : i32
      %dma_wait3A_121 = arith.constant 0 : i32
      %dma_wait3A_122 = arith.constant 0 : i32
      %dma_wait3A_123 = tpu.memref_slice %run_scoped3A_8[%rem3A_105, %dma_wait3A_120, %dma_wait3A_121, %dma_wait3A_122] : memref<2x32x8x16xf32, #tpu.memory_space<vmem>> -> memref<1x32x8x16xf32, #tpu.memory_space<vmem>>
      %dma_wait3A_124 = tpu.memref_squeeze %dma_wait3A_123 : memref<1x32x8x16xf32, #tpu.memory_space<vmem>> -> memref<32x8x16xf32, #tpu.memory_space<vmem>>
      tpu.wait_dma2 semaphore(%dma_wait3A_116 : memref<!tpu.dma_semaphore, #tpu.memory_space<semaphore_mem>>) src(%dma_wait3A_124 : memref<32x8x16xf32, #tpu.memory_space<vmem>>) dst(%dma_wait3A_119 : memref<32x8x16xf32, #tpu.memory_space<hbm>>)
      "tpu.trace_stop"() : () -> ()
      tpu.yield
    }) : () -> ()
    return
  }
}

#map = affine_map<(d0, d1) -> (0, 0)>
module attributes {stable_mosaic.version = 14 : i64} {
  func.func @sc_gather(%arg0: i32, %arg1: i32, %arg2: memref<100000x128xf32, #tpu.memory_space<hbm>>, %arg3: memref<1x106496xi32, #tpu.memory_space<hbm>>, %arg4: memref<106496x128xf32, #tpu.memory_space<hbm>>) attributes {dimension_semantics = [#tpu.dimension_semantics<core_parallel>, #tpu.dimension_semantics<subcore_parallel>], iteration_bounds = array<i64: 2, 16>, scalar_prefetch = 0 : i64, scratch_operands = 0 : i64, tpu.core_type = #tpu.core_type<sc_vector_subcore>, window_params = [{transform_indices = #map}, {transform_indices = #map}, {transform_indices = #map}]} {
    %mul3A = arith.constant 1 : i32
    %mul3A_0 = arith.muli %arg1, %mul3A : i32
    %add3A = arith.constant 0 : i32
    %add3A_1 = arith.addi %add3A, %mul3A_0 : i32
    %mul3A_2 = arith.constant 16 : i32
    %mul3A_3 = arith.muli %arg0, %mul3A_2 : i32
    %add3A_4 = arith.addi %add3A_1, %mul3A_3 : i32
    %mul3A_5 = arith.constant 13 : i32
    %mul3A_6 = arith.muli %add3A_4, %mul3A_5 : i32
    "tpu.region"() ({
      %run_scoped3A = memref.alloca() : memref<2x1x256xi32, #tpu.memory_space<vmem>>
      %run_scoped3A_7 = tpu.sem_alloc : memref<2x!tpu.dma_semaphore, #tpu.memory_space<semaphore_mem>>
      %run_scoped3A_8 = memref.alloca() : memref<2x256x128xf32, #tpu.memory_space<vmem>>
      %run_scoped3A_9 = tpu.sem_alloc : memref<2x!tpu.dma_semaphore, #tpu.memory_space<semaphore_mem>>
      %add3A_10 = arith.constant 0 : i32
      %add3A_11 = arith.addi %add3A_10, %mul3A_6 : i32
      %select_n3A = arith.constant true
      %select_n3A_12 = arith.constant 0 : i32
      %select_n3A_13 = arith.constant -1 : i32
      %select_n3A_14 = arith.select %select_n3A, %select_n3A_13, %select_n3A_12 : i32
      %eq3A = arith.constant -1 : i32
      %eq3A_15 = arith.cmpi eq, %select_n3A_14, %eq3A : i32
      %select_n3A_16 = arith.constant 12 : i32
      %select_n3A_17 = arith.select %eq3A_15, %select_n3A_16, %select_n3A_14 : i32
      %add3A_18 = arith.addi %select_n3A_17, %mul3A_6 : i32
      %select_n3A_19 = arith.constant true
      %select_n3A_20 = arith.constant 0 : i32
      %select_n3A_21 = arith.constant 1 : i32
      %select_n3A_22 = arith.select %select_n3A_19, %select_n3A_21, %select_n3A_20 : i32
      %eq3A_23 = arith.constant 13 : i32
      %eq3A_24 = arith.cmpi eq, %select_n3A_22, %eq3A_23 : i32
      %select_n3A_25 = arith.constant 0 : i32
      %select_n3A_26 = arith.select %eq3A_24, %select_n3A_25, %select_n3A_22 : i32
      %add3A_27 = arith.addi %select_n3A_26, %mul3A_6 : i32
      %add3A_28 = arith.constant 1 : i32
      %add3A_29 = arith.addi %select_n3A_26, %add3A_28 : i32
      %select_n3A_30 = arith.constant true
      %select_n3A_31 = arith.select %select_n3A_30, %add3A_29, %select_n3A_26 : i32
      %eq3A_32 = arith.constant 13 : i32
      %eq3A_33 = arith.cmpi eq, %select_n3A_31, %eq3A_32 : i32
      %select_n3A_34 = arith.constant 0 : i32
      %select_n3A_35 = arith.select %eq3A_33, %select_n3A_34, %select_n3A_31 : i32
      %add3A_36 = arith.addi %select_n3A_35, %mul3A_6 : i32
      "tpu.trace_start"() <{level = 10 : i32, message = "ep_initialize_0"}> : () -> ()
      %rem3A = arith.constant 0 : i32
      %rem3A_37 = arith.constant 2 : i32
      %rem3A_38 = arith.remui %rem3A, %rem3A_37 : i32
      %mul3A_39 = arith.constant 256 : i32
      %mul3A_40 = arith.muli %mul3A_39, %add3A_11 : i32
      %dma_start3A = arith.constant 0 : i32
      %dma_start3A_41 = arith.constant 0 : i32
      %dma_start3A_42 = tpu.memref_slice %run_scoped3A[%rem3A_38, %dma_start3A, %dma_start3A_41] : memref<2x1x256xi32, #tpu.memory_space<vmem>> -> memref<1x1x256xi32, #tpu.memory_space<vmem>>
      %dma_start3A_43 = tpu.memref_squeeze %dma_start3A_42 : memref<1x1x256xi32, #tpu.memory_space<vmem>> -> memref<1x256xi32, #tpu.memory_space<vmem>>
      %dma_start3A_44 = arith.constant 0 : i32
      %dma_start3A_45 = tpu.memref_slice %arg3[%dma_start3A_44, %mul3A_40] : memref<1x106496xi32, #tpu.memory_space<hbm>> -> memref<1x256xi32, #tpu.memory_space<hbm>>
      %dma_start3A_46 = tpu.memref_slice %run_scoped3A_7[%rem3A_38] : memref<2x!tpu.dma_semaphore, #tpu.memory_space<semaphore_mem>> -> memref<1x!tpu.dma_semaphore, #tpu.memory_space<semaphore_mem>>
      %dma_start3A_47 = tpu.memref_squeeze %dma_start3A_46 : memref<1x!tpu.dma_semaphore, #tpu.memory_space<semaphore_mem>> -> memref<!tpu.dma_semaphore, #tpu.memory_space<semaphore_mem>>
      %dma_start3A_48 = arith.constant 0 : i32
      %dma_start3A_49 = arith.constant 0 : i32
      %dma_start3A_50 = tpu.memref_slice %run_scoped3A[%rem3A_38, %dma_start3A_48, %dma_start3A_49] : memref<2x1x256xi32, #tpu.memory_space<vmem>> -> memref<1x1x256xi32, #tpu.memory_space<vmem>>
      %dma_start3A_51 = tpu.memref_squeeze %dma_start3A_50 : memref<1x1x256xi32, #tpu.memory_space<vmem>> -> memref<1x256xi32, #tpu.memory_space<vmem>>
      %dma_start3A_52 = arith.constant 0 : i32
      %dma_start3A_53 = tpu.memref_slice %arg3[%dma_start3A_52, %mul3A_40] : memref<1x106496xi32, #tpu.memory_space<hbm>> -> memref<1x256xi32, #tpu.memory_space<hbm>>
      tpu.enqueue_dma source(%dma_start3A_53 : memref<1x256xi32, #tpu.memory_space<hbm>>) target(%dma_start3A_51 : memref<1x256xi32, #tpu.memory_space<vmem>>) target_semaphore(%dma_start3A_47 : memref<!tpu.dma_semaphore, #tpu.memory_space<semaphore_mem>>)
      %add3A_54 = arith.constant 0 : i32
      %add3A_55 = arith.constant 1 : i32
      %add3A_56 = arith.addi %add3A_54, %add3A_55 : i32
      %select_n3A_57 = arith.constant true
      %select_n3A_58 = arith.constant 0 : i32
      %select_n3A_59 = arith.select %select_n3A_57, %add3A_56, %select_n3A_58 : i32
      "tpu.trace_stop"() : () -> ()
      %scan3A = arith.constant 0 : i32
      %scan3A_60 = arith.constant 0 : i32
      %scan3A_61 = arith.constant 0 : i32
      %scan3A_62 = arith.constant 0 : i32
      %scan3A_63 = arith.constant 0 : i32
      %scan3A_64 = arith.constant 13 : i32
      %scan3A_65 = arith.addi %scan3A_63, %scan3A_64 : i32
      %scan3A_66 = arith.constant 1 : i32
      %scan3A_67:5 = scf.for %scan3A_121 = %scan3A_63 to %scan3A_65 step %scan3A_66 iter_args(%scan3A_122 = %select_n3A_59, %scan3A_123 = %scan3A, %scan3A_124 = %scan3A_60, %scan3A_125 = %scan3A_61, %scan3A_126 = %scan3A_62) -> (i32, i32, i32, i32, i32)  : i32 {
        %eq3A_127 = arith.constant 0 : i32
        %eq3A_128 = arith.cmpi eq, %scan3A_121, %eq3A_127 : i32
        %eq3A_129 = arith.constant 12 : i32
        %eq3A_130 = arith.cmpi eq, %scan3A_121, %eq3A_129 : i32
        %add3A_131 = arith.addi %scan3A_126, %mul3A_6 : i32
        %sub3A_132 = arith.constant 1 : i32
        %sub3A_133 = arith.subi %scan3A_126, %sub3A_132 : i32
        %select_n3A_134 = arith.constant true
        %select_n3A_135 = arith.select %select_n3A_134, %sub3A_133, %scan3A_126 : i32
        %eq3A_136 = arith.constant -1 : i32
        %eq3A_137 = arith.cmpi eq, %select_n3A_135, %eq3A_136 : i32
        %select_n3A_138 = arith.constant 12 : i32
        %select_n3A_139 = arith.select %eq3A_137, %select_n3A_138, %select_n3A_135 : i32
        %add3A_140 = arith.addi %select_n3A_139, %mul3A_6 : i32
        %add3A_141 = arith.constant 1 : i32
        %add3A_142 = arith.addi %scan3A_126, %add3A_141 : i32
        %select_n3A_143 = arith.constant true
        %select_n3A_144 = arith.select %select_n3A_143, %add3A_142, %scan3A_126 : i32
        %eq3A_145 = arith.constant 13 : i32
        %eq3A_146 = arith.cmpi eq, %select_n3A_144, %eq3A_145 : i32
        %select_n3A_147 = arith.constant 0 : i32
        %select_n3A_148 = arith.select %eq3A_146, %select_n3A_147, %select_n3A_144 : i32
        %add3A_149 = arith.addi %select_n3A_148, %mul3A_6 : i32
        %add3A_150 = arith.constant 1 : i32
        %add3A_151 = arith.addi %select_n3A_148, %add3A_150 : i32
        %select_n3A_152 = arith.constant true
        %select_n3A_153 = arith.select %select_n3A_152, %add3A_151, %select_n3A_148 : i32
        %eq3A_154 = arith.constant 13 : i32
        %eq3A_155 = arith.cmpi eq, %select_n3A_153, %eq3A_154 : i32
        %select_n3A_156 = arith.constant 0 : i32
        %select_n3A_157 = arith.select %eq3A_155, %select_n3A_156, %select_n3A_153 : i32
        %add3A_158 = arith.addi %select_n3A_157, %mul3A_6 : i32
        %ne3A = arith.cmpi ne, %add3A_131, %add3A_149 : i32
        %or3A = arith.constant false
        %or3A_159 = arith.ori %or3A, %ne3A : i1
        %ge3A = arith.constant 12 : i32
        %ge3A_160 = arith.cmpi sge, %scan3A_121, %ge3A : i32
        %not3A = arith.constant true
        %not3A_161 = arith.xori %ge3A_160, %not3A : i1
        %and3A = arith.andi %or3A_159, %not3A_161 : i1
        %convert_element_type3A = arith.extui %and3A : i1 to i32
        %cond3A = arith.constant 0 : i32
        %cond3A_162 = arith.cmpi ne, %convert_element_type3A, %cond3A : i32
        scf.if %cond3A_162 {
          "tpu.trace_start"() <{level = 10 : i32, message = "ep_copy_in"}> : () -> ()
          %rem3A_264 = arith.constant 2 : i32
          %rem3A_265 = arith.remui %scan3A_122, %rem3A_264 : i32
          %mul3A_266 = arith.constant 256 : i32
          %mul3A_267 = arith.muli %mul3A_266, %add3A_149 : i32
          %dma_start3A_268 = arith.constant 0 : i32
          %dma_start3A_269 = arith.constant 0 : i32
          %dma_start3A_270 = tpu.memref_slice %run_scoped3A[%rem3A_265, %dma_start3A_268, %dma_start3A_269] : memref<2x1x256xi32, #tpu.memory_space<vmem>> -> memref<1x1x256xi32, #tpu.memory_space<vmem>>
          %dma_start3A_271 = tpu.memref_squeeze %dma_start3A_270 : memref<1x1x256xi32, #tpu.memory_space<vmem>> -> memref<1x256xi32, #tpu.memory_space<vmem>>
          %dma_start3A_272 = arith.constant 0 : i32
          %dma_start3A_273 = tpu.memref_slice %arg3[%dma_start3A_272, %mul3A_267] : memref<1x106496xi32, #tpu.memory_space<hbm>> -> memref<1x256xi32, #tpu.memory_space<hbm>>
          %dma_start3A_274 = tpu.memref_slice %run_scoped3A_7[%rem3A_265] : memref<2x!tpu.dma_semaphore, #tpu.memory_space<semaphore_mem>> -> memref<1x!tpu.dma_semaphore, #tpu.memory_space<semaphore_mem>>
          %dma_start3A_275 = tpu.memref_squeeze %dma_start3A_274 : memref<1x!tpu.dma_semaphore, #tpu.memory_space<semaphore_mem>> -> memref<!tpu.dma_semaphore, #tpu.memory_space<semaphore_mem>>
          %dma_start3A_276 = arith.constant 0 : i32
          %dma_start3A_277 = arith.constant 0 : i32
          %dma_start3A_278 = tpu.memref_slice %run_scoped3A[%rem3A_265, %dma_start3A_276, %dma_start3A_277] : memref<2x1x256xi32, #tpu.memory_space<vmem>> -> memref<1x1x256xi32, #tpu.memory_space<vmem>>
          %dma_start3A_279 = tpu.memref_squeeze %dma_start3A_278 : memref<1x1x256xi32, #tpu.memory_space<vmem>> -> memref<1x256xi32, #tpu.memory_space<vmem>>
          %dma_start3A_280 = arith.constant 0 : i32
          %dma_start3A_281 = tpu.memref_slice %arg3[%dma_start3A_280, %mul3A_267] : memref<1x106496xi32, #tpu.memory_space<hbm>> -> memref<1x256xi32, #tpu.memory_space<hbm>>
          tpu.enqueue_dma source(%dma_start3A_281 : memref<1x256xi32, #tpu.memory_space<hbm>>) target(%dma_start3A_279 : memref<1x256xi32, #tpu.memory_space<vmem>>) target_semaphore(%dma_start3A_275 : memref<!tpu.dma_semaphore, #tpu.memory_space<semaphore_mem>>)
          "tpu.trace_stop"() : () -> ()
        } else {
        }
        %and3A_163 = arith.constant true
        %and3A_164 = arith.andi %and3A, %and3A_163 : i1
        %add3A_165 = arith.constant 1 : i32
        %add3A_166 = arith.addi %scan3A_122, %add3A_165 : i32
        %select_n3A_167 = arith.select %and3A_164, %add3A_166, %scan3A_122 : i32
        %ne3A_168 = arith.cmpi ne, %add3A_131, %add3A_149 : i32
        %or3A_169 = arith.constant false
        %or3A_170 = arith.ori %or3A_169, %ne3A_168 : i1
        %or3A_171 = arith.constant false
        %or3A_172 = arith.ori %or3A_170, %or3A_171 : i1
        %ge3A_173 = arith.constant 12 : i32
        %ge3A_174 = arith.cmpi sge, %scan3A_121, %ge3A_173 : i32
        %not3A_175 = arith.constant true
        %not3A_176 = arith.xori %ge3A_174, %not3A_175 : i1
        %and3A_177 = arith.andi %or3A_172, %not3A_176 : i1
        %ne3A_178 = arith.cmpi ne, %add3A_131, %add3A_140 : i32
        %or3A_179 = arith.constant false
        %or3A_180 = arith.ori %or3A_179, %ne3A_178 : i1
        %or3A_181 = arith.ori %or3A_180, %eq3A_128 : i1
        %convert_element_type3A_182 = arith.extui %or3A_181 : i1 to i32
        %cond3A_183 = arith.constant 0 : i32
        %cond3A_184 = arith.cmpi ne, %convert_element_type3A_182, %cond3A_183 : i32
        scf.if %cond3A_184 {
          "tpu.trace_start"() <{level = 10 : i32, message = "ep_wait_in"}> : () -> ()
          %mul3A_264 = arith.constant 256 : i32
          %mul3A_265 = arith.muli %mul3A_264, %add3A_131 : i32
          %rem3A_266 = arith.constant 2 : i32
          %rem3A_267 = arith.remui %scan3A_123, %rem3A_266 : i32
          %dma_wait3A_268 = arith.constant 0 : i32
          %dma_wait3A_269 = arith.constant 0 : i32
          %dma_wait3A_270 = tpu.memref_slice %run_scoped3A[%rem3A_267, %dma_wait3A_268, %dma_wait3A_269] : memref<2x1x256xi32, #tpu.memory_space<vmem>> -> memref<1x1x256xi32, #tpu.memory_space<vmem>>
          %dma_wait3A_271 = tpu.memref_squeeze %dma_wait3A_270 : memref<1x1x256xi32, #tpu.memory_space<vmem>> -> memref<1x256xi32, #tpu.memory_space<vmem>>
          %dma_wait3A_272 = arith.constant 0 : i32
          %dma_wait3A_273 = tpu.memref_slice %arg3[%dma_wait3A_272, %mul3A_265] : memref<1x106496xi32, #tpu.memory_space<hbm>> -> memref<1x256xi32, #tpu.memory_space<hbm>>
          %dma_wait3A_274 = tpu.memref_slice %run_scoped3A_7[%rem3A_267] : memref<2x!tpu.dma_semaphore, #tpu.memory_space<semaphore_mem>> -> memref<1x!tpu.dma_semaphore, #tpu.memory_space<semaphore_mem>>
          %dma_wait3A_275 = tpu.memref_squeeze %dma_wait3A_274 : memref<1x!tpu.dma_semaphore, #tpu.memory_space<semaphore_mem>> -> memref<!tpu.dma_semaphore, #tpu.memory_space<semaphore_mem>>
          %dma_wait3A_276 = arith.constant 0 : i32
          %dma_wait3A_277 = arith.constant 0 : i32
          %dma_wait3A_278 = tpu.memref_slice %run_scoped3A[%rem3A_267, %dma_wait3A_276, %dma_wait3A_277] : memref<2x1x256xi32, #tpu.memory_space<vmem>> -> memref<1x1x256xi32, #tpu.memory_space<vmem>>
          %dma_wait3A_279 = tpu.memref_squeeze %dma_wait3A_278 : memref<1x1x256xi32, #tpu.memory_space<vmem>> -> memref<1x256xi32, #tpu.memory_space<vmem>>
          %dma_wait3A_280 = arith.constant 0 : i32
          %dma_wait3A_281 = tpu.memref_slice %arg3[%dma_wait3A_280, %mul3A_265] : memref<1x106496xi32, #tpu.memory_space<hbm>> -> memref<1x256xi32, #tpu.memory_space<hbm>>
          tpu.wait_dma2 semaphore(%dma_wait3A_275 : memref<!tpu.dma_semaphore, #tpu.memory_space<semaphore_mem>>) src(%dma_wait3A_281 : memref<1x256xi32, #tpu.memory_space<hbm>>) dst(%dma_wait3A_279 : memref<1x256xi32, #tpu.memory_space<vmem>>)
          "tpu.trace_stop"() : () -> ()
        } else {
        }
        %ne3A_185 = arith.cmpi ne, %add3A_131, %add3A_140 : i32
        %or3A_186 = arith.constant false
        %or3A_187 = arith.ori %or3A_186, %ne3A_185 : i1
        %or3A_188 = arith.constant false
        %or3A_189 = arith.ori %or3A_187, %or3A_188 : i1
        %or3A_190 = arith.ori %or3A_189, %eq3A_128 : i1
        %convert_element_type3A_191 = arith.extui %or3A_190 : i1 to i32
        %cond3A_192 = arith.constant 0 : i32
        %cond3A_193 = arith.cmpi ne, %convert_element_type3A_191, %cond3A_192 : i32
        scf.if %cond3A_193 {
        } else {
        }
        %rem3A_194 = arith.constant 2 : i32
        %rem3A_195 = arith.remui %scan3A_123, %rem3A_194 : i32
        %rem3A_196 = arith.constant 2 : i32
        %rem3A_197 = arith.remui %scan3A_124, %rem3A_196 : i32
        %run_scoped3A_198 = arith.constant 0 : i32
        "tpu.trace_start"() <{level = 10 : i32, message = "ep_run_kernel"}> : () -> ()
        "tpu.region"() ({
          %run_scoped3A_264 = tpu.sem_alloc : memref<!tpu.dma_semaphore, #tpu.memory_space<semaphore_mem>>
          %dma_start3A_265 = arith.constant 0 : i32
          %dma_start3A_266 = arith.constant 0 : i32
          %dma_start3A_267 = tpu.memref_slice %run_scoped3A_8[%rem3A_197, %dma_start3A_265, %dma_start3A_266] : memref<2x256x128xf32, #tpu.memory_space<vmem>> -> memref<1x256x128xf32, #tpu.memory_space<vmem>>
          %dma_start3A_268 = tpu.memref_squeeze %dma_start3A_267 : memref<1x256x128xf32, #tpu.memory_space<vmem>> -> memref<256x128xf32, #tpu.memory_space<vmem>>
          %dma_start3A_269 = arith.constant 0 : i32
          %dma_start3A_270 = arith.constant 0 : i32
          %dma_start3A_271 = tpu.memref_slice %run_scoped3A[%rem3A_195, %dma_start3A_269, %dma_start3A_270] : memref<2x1x256xi32, #tpu.memory_space<vmem>> -> memref<1x1x256xi32, #tpu.memory_space<vmem>>
          %dma_start3A_272 = tpu.memref_squeeze %dma_start3A_271 : memref<1x1x256xi32, #tpu.memory_space<vmem>> -> memref<1x256xi32, #tpu.memory_space<vmem>>
          %dma_start3A_273 = arith.constant 0 : i32
          %dma_start3A_274 = tpu.memref_slice %dma_start3A_272[%run_scoped3A_198, %dma_start3A_273] : memref<1x256xi32, #tpu.memory_space<vmem>> -> memref<1x256xi32, #tpu.memory_space<vmem>>
          %dma_start3A_275 = tpu.memref_squeeze %dma_start3A_274 : memref<1x256xi32, #tpu.memory_space<vmem>> -> memref<256xi32, #tpu.memory_space<vmem>>
          %dma_start3A_276 = arith.constant 0 : i32
          %dma_start3A_277 = arith.constant 0 : i32
          %dma_start3A_278 = tpu.memref_slice %arg2[%dma_start3A_276, %dma_start3A_277] : memref<100000x128xf32, #tpu.memory_space<hbm>> -> memref<100000x128xf32, #tpu.memory_space<hbm>>
          tpu.enqueue_indirect_dma source(%dma_start3A_278 : memref<100000x128xf32, #tpu.memory_space<hbm>>) target(%dma_start3A_268 : memref<256x128xf32, #tpu.memory_space<vmem>>) offsets(%dma_start3A_275 : memref<256xi32, #tpu.memory_space<vmem>>) semaphore(%run_scoped3A_264 : memref<!tpu.dma_semaphore, #tpu.memory_space<semaphore_mem>>)
          %dma_wait3A_279 = arith.constant 0 : i32
          %dma_wait3A_280 = arith.constant 0 : i32
          %dma_wait3A_281 = tpu.memref_slice %run_scoped3A_8[%rem3A_197, %dma_wait3A_279, %dma_wait3A_280] : memref<2x256x128xf32, #tpu.memory_space<vmem>> -> memref<1x256x128xf32, #tpu.memory_space<vmem>>
          %dma_wait3A_282 = tpu.memref_squeeze %dma_wait3A_281 : memref<1x256x128xf32, #tpu.memory_space<vmem>> -> memref<256x128xf32, #tpu.memory_space<vmem>>
          %dma_wait3A_283 = arith.constant 0 : i32
          %dma_wait3A_284 = arith.constant 0 : i32
          %dma_wait3A_285 = tpu.memref_slice %run_scoped3A[%rem3A_195, %dma_wait3A_283, %dma_wait3A_284] : memref<2x1x256xi32, #tpu.memory_space<vmem>> -> memref<1x1x256xi32, #tpu.memory_space<vmem>>
          %dma_wait3A_286 = tpu.memref_squeeze %dma_wait3A_285 : memref<1x1x256xi32, #tpu.memory_space<vmem>> -> memref<1x256xi32, #tpu.memory_space<vmem>>
          %dma_wait3A_287 = arith.constant 0 : i32
          %dma_wait3A_288 = tpu.memref_slice %dma_wait3A_286[%run_scoped3A_198, %dma_wait3A_287] : memref<1x256xi32, #tpu.memory_space<vmem>> -> memref<1x256xi32, #tpu.memory_space<vmem>>
          %dma_wait3A_289 = tpu.memref_squeeze %dma_wait3A_288 : memref<1x256xi32, #tpu.memory_space<vmem>> -> memref<256xi32, #tpu.memory_space<vmem>>
          %dma_wait3A_290 = arith.constant 0 : i32
          %dma_wait3A_291 = arith.constant 0 : i32
          %dma_wait3A_292 = tpu.memref_slice %arg2[%dma_wait3A_290, %dma_wait3A_291] : memref<100000x128xf32, #tpu.memory_space<hbm>> -> memref<100000x128xf32, #tpu.memory_space<hbm>>
          tpu.wait_indirect_dma semaphore(%run_scoped3A_264 : memref<!tpu.dma_semaphore, #tpu.memory_space<semaphore_mem>>) src(%dma_wait3A_292 : memref<100000x128xf32, #tpu.memory_space<hbm>>) dst(%dma_wait3A_282 : memref<256x128xf32, #tpu.memory_space<vmem>>)
          tpu.yield
        }) : () -> ()
        "tpu.trace_stop"() : () -> ()
        %ne3A_199 = arith.cmpi ne, %add3A_131, %add3A_149 : i32
        %or3A_200 = arith.constant false
        %or3A_201 = arith.ori %or3A_200, %ne3A_199 : i1
        %or3A_202 = arith.ori %or3A_201, %eq3A_130 : i1
        %convert_element_type3A_203 = arith.extui %or3A_202 : i1 to i32
        %cond3A_204 = arith.constant 0 : i32
        %cond3A_205 = arith.cmpi ne, %convert_element_type3A_203, %cond3A_204 : i32
        scf.if %cond3A_205 {
        } else {
        }
        %and3A_206 = arith.constant false
        %and3A_207 = arith.andi %or3A_202, %and3A_206 : i1
        %ne3A_208 = arith.cmpi ne, %add3A_131, %add3A_149 : i32
        %or3A_209 = arith.constant false
        %or3A_210 = arith.ori %or3A_209, %ne3A_208 : i1
        %or3A_211 = arith.constant false
        %or3A_212 = arith.ori %or3A_210, %or3A_211 : i1
        %or3A_213 = arith.ori %or3A_212, %eq3A_130 : i1
        %convert_element_type3A_214 = arith.extui %or3A_213 : i1 to i32
        %cond3A_215 = arith.constant 0 : i32
        %cond3A_216 = arith.cmpi ne, %convert_element_type3A_214, %cond3A_215 : i32
        scf.if %cond3A_216 {
          "tpu.trace_start"() <{level = 10 : i32, message = "ep_copy_out"}> : () -> ()
          %rem3A_264 = arith.constant 2 : i32
          %rem3A_265 = arith.remui %scan3A_124, %rem3A_264 : i32
          %mul3A_266 = arith.constant 256 : i32
          %mul3A_267 = arith.muli %mul3A_266, %add3A_131 : i32
          %dma_start3A_268 = arith.constant 0 : i32
          %dma_start3A_269 = arith.constant 0 : i32
          %dma_start3A_270 = tpu.memref_slice %run_scoped3A_8[%rem3A_265, %dma_start3A_268, %dma_start3A_269] : memref<2x256x128xf32, #tpu.memory_space<vmem>> -> memref<1x256x128xf32, #tpu.memory_space<vmem>>
          %dma_start3A_271 = tpu.memref_squeeze %dma_start3A_270 : memref<1x256x128xf32, #tpu.memory_space<vmem>> -> memref<256x128xf32, #tpu.memory_space<vmem>>
          %dma_start3A_272 = arith.constant 0 : i32
          %dma_start3A_273 = tpu.memref_slice %arg4[%mul3A_267, %dma_start3A_272] : memref<106496x128xf32, #tpu.memory_space<hbm>> -> memref<256x128xf32, #tpu.memory_space<hbm>>
          %dma_start3A_274 = tpu.memref_slice %run_scoped3A_9[%rem3A_265] : memref<2x!tpu.dma_semaphore, #tpu.memory_space<semaphore_mem>> -> memref<1x!tpu.dma_semaphore, #tpu.memory_space<semaphore_mem>>
          %dma_start3A_275 = tpu.memref_squeeze %dma_start3A_274 : memref<1x!tpu.dma_semaphore, #tpu.memory_space<semaphore_mem>> -> memref<!tpu.dma_semaphore, #tpu.memory_space<semaphore_mem>>
          %dma_start3A_276 = arith.constant 0 : i32
          %dma_start3A_277 = tpu.memref_slice %arg4[%mul3A_267, %dma_start3A_276] : memref<106496x128xf32, #tpu.memory_space<hbm>> -> memref<256x128xf32, #tpu.memory_space<hbm>>
          %dma_start3A_278 = arith.constant 0 : i32
          %dma_start3A_279 = arith.constant 0 : i32
          %dma_start3A_280 = tpu.memref_slice %run_scoped3A_8[%rem3A_265, %dma_start3A_278, %dma_start3A_279] : memref<2x256x128xf32, #tpu.memory_space<vmem>> -> memref<1x256x128xf32, #tpu.memory_space<vmem>>
          %dma_start3A_281 = tpu.memref_squeeze %dma_start3A_280 : memref<1x256x128xf32, #tpu.memory_space<vmem>> -> memref<256x128xf32, #tpu.memory_space<vmem>>
          tpu.enqueue_dma source(%dma_start3A_281 : memref<256x128xf32, #tpu.memory_space<vmem>>) target(%dma_start3A_277 : memref<256x128xf32, #tpu.memory_space<hbm>>) target_semaphore(%dma_start3A_275 : memref<!tpu.dma_semaphore, #tpu.memory_space<semaphore_mem>>)
          "tpu.trace_stop"() : () -> ()
        } else {
        }
        %and3A_217 = arith.constant true
        %and3A_218 = arith.andi %or3A_213, %and3A_217 : i1
        %add3A_219 = arith.constant 1 : i32
        %add3A_220 = arith.addi %scan3A_124, %add3A_219 : i32
        %select_n3A_221 = arith.select %and3A_218, %add3A_220, %scan3A_124 : i32
        %ne3A_222 = arith.cmpi ne, %add3A_131, %add3A_140 : i32
        %or3A_223 = arith.constant false
        %or3A_224 = arith.ori %or3A_223, %ne3A_222 : i1
        %not3A_225 = arith.constant true
        %not3A_226 = arith.xori %eq3A_128, %not3A_225 : i1
        %and3A_227 = arith.andi %or3A_224, %not3A_226 : i1
        %convert_element_type3A_228 = arith.extui %and3A_227 : i1 to i32
        %cond3A_229 = arith.constant 0 : i32
        %cond3A_230 = arith.cmpi ne, %convert_element_type3A_228, %cond3A_229 : i32
        scf.if %cond3A_230 {
        } else {
        }
        %and3A_231 = arith.constant false
        %and3A_232 = arith.andi %and3A_227, %and3A_231 : i1
        %ne3A_233 = arith.cmpi ne, %add3A_131, %add3A_140 : i32
        %or3A_234 = arith.constant false
        %or3A_235 = arith.ori %or3A_234, %ne3A_233 : i1
        %or3A_236 = arith.constant false
        %or3A_237 = arith.ori %or3A_235, %or3A_236 : i1
        %not3A_238 = arith.constant true
        %not3A_239 = arith.xori %eq3A_128, %not3A_238 : i1
        %and3A_240 = arith.andi %or3A_237, %not3A_239 : i1
        %convert_element_type3A_241 = arith.extui %and3A_240 : i1 to i32
        %cond3A_242 = arith.constant 0 : i32
        %cond3A_243 = arith.cmpi ne, %convert_element_type3A_241, %cond3A_242 : i32
        scf.if %cond3A_243 {
          "tpu.trace_start"() <{level = 10 : i32, message = "ep_wait_out"}> : () -> ()
          %rem3A_264 = arith.constant 2 : i32
          %rem3A_265 = arith.remui %scan3A_125, %rem3A_264 : i32
          %mul3A_266 = arith.constant 256 : i32
          %mul3A_267 = arith.muli %mul3A_266, %add3A_140 : i32
          %dma_wait3A_268 = arith.constant 0 : i32
          %dma_wait3A_269 = arith.constant 0 : i32
          %dma_wait3A_270 = tpu.memref_slice %run_scoped3A_8[%rem3A_265, %dma_wait3A_268, %dma_wait3A_269] : memref<2x256x128xf32, #tpu.memory_space<vmem>> -> memref<1x256x128xf32, #tpu.memory_space<vmem>>
          %dma_wait3A_271 = tpu.memref_squeeze %dma_wait3A_270 : memref<1x256x128xf32, #tpu.memory_space<vmem>> -> memref<256x128xf32, #tpu.memory_space<vmem>>
          %dma_wait3A_272 = arith.constant 0 : i32
          %dma_wait3A_273 = tpu.memref_slice %arg4[%mul3A_267, %dma_wait3A_272] : memref<106496x128xf32, #tpu.memory_space<hbm>> -> memref<256x128xf32, #tpu.memory_space<hbm>>
          %dma_wait3A_274 = tpu.memref_slice %run_scoped3A_9[%rem3A_265] : memref<2x!tpu.dma_semaphore, #tpu.memory_space<semaphore_mem>> -> memref<1x!tpu.dma_semaphore, #tpu.memory_space<semaphore_mem>>
          %dma_wait3A_275 = tpu.memref_squeeze %dma_wait3A_274 : memref<1x!tpu.dma_semaphore, #tpu.memory_space<semaphore_mem>> -> memref<!tpu.dma_semaphore, #tpu.memory_space<semaphore_mem>>
          %dma_wait3A_276 = arith.constant 0 : i32
          %dma_wait3A_277 = tpu.memref_slice %arg4[%mul3A_267, %dma_wait3A_276] : memref<106496x128xf32, #tpu.memory_space<hbm>> -> memref<256x128xf32, #tpu.memory_space<hbm>>
          %dma_wait3A_278 = arith.constant 0 : i32
          %dma_wait3A_279 = arith.constant 0 : i32
          %dma_wait3A_280 = tpu.memref_slice %run_scoped3A_8[%rem3A_265, %dma_wait3A_278, %dma_wait3A_279] : memref<2x256x128xf32, #tpu.memory_space<vmem>> -> memref<1x256x128xf32, #tpu.memory_space<vmem>>
          %dma_wait3A_281 = tpu.memref_squeeze %dma_wait3A_280 : memref<1x256x128xf32, #tpu.memory_space<vmem>> -> memref<256x128xf32, #tpu.memory_space<vmem>>
          tpu.wait_dma2 semaphore(%dma_wait3A_275 : memref<!tpu.dma_semaphore, #tpu.memory_space<semaphore_mem>>) src(%dma_wait3A_281 : memref<256x128xf32, #tpu.memory_space<vmem>>) dst(%dma_wait3A_277 : memref<256x128xf32, #tpu.memory_space<hbm>>)
          "tpu.trace_stop"() : () -> ()
        } else {
        }
        %and3A_244 = arith.constant true
        %and3A_245 = arith.andi %and3A_240, %and3A_244 : i1
        %add3A_246 = arith.constant 1 : i32
        %add3A_247 = arith.addi %scan3A_125, %add3A_246 : i32
        %select_n3A_248 = arith.select %and3A_245, %add3A_247, %scan3A_125 : i32
        %ne3A_249 = arith.cmpi ne, %add3A_131, %add3A_149 : i32
        %or3A_250 = arith.constant false
        %or3A_251 = arith.ori %or3A_250, %ne3A_249 : i1
        %or3A_252 = arith.ori %or3A_251, %eq3A_130 : i1
        %add3A_253 = arith.constant 1 : i32
        %add3A_254 = arith.addi %scan3A_123, %add3A_253 : i32
        %select_n3A_255 = arith.select %or3A_252, %add3A_254, %scan3A_123 : i32
        %add3A_256 = arith.constant 1 : i32
        %add3A_257 = arith.addi %scan3A_126, %add3A_256 : i32
        %select_n3A_258 = arith.constant true
        %select_n3A_259 = arith.select %select_n3A_258, %add3A_257, %scan3A_126 : i32
        %eq3A_260 = arith.constant 13 : i32
        %eq3A_261 = arith.cmpi eq, %select_n3A_259, %eq3A_260 : i32
        %select_n3A_262 = arith.constant 0 : i32
        %select_n3A_263 = arith.select %eq3A_261, %select_n3A_262, %select_n3A_259 : i32
        scf.yield %select_n3A_167, %select_n3A_255, %select_n3A_221, %select_n3A_248, %select_n3A_263 : i32, i32, i32, i32, i32
      }
      %scan3A_68 = arith.constant 13 : i32
      %sub3A = arith.constant 1 : i32
      %sub3A_69 = arith.subi %scan3A_67#4, %sub3A : i32
      %select_n3A_70 = arith.constant true
      %select_n3A_71 = arith.select %select_n3A_70, %sub3A_69, %scan3A_67#4 : i32
      %eq3A_72 = arith.constant -1 : i32
      %eq3A_73 = arith.cmpi eq, %select_n3A_71, %eq3A_72 : i32
      %select_n3A_74 = arith.constant 12 : i32
      %select_n3A_75 = arith.select %eq3A_73, %select_n3A_74, %select_n3A_71 : i32
      %add3A_76 = arith.addi %select_n3A_75, %mul3A_6 : i32
      %sub3A_77 = arith.constant 1 : i32
      %sub3A_78 = arith.subi %select_n3A_75, %sub3A_77 : i32
      %select_n3A_79 = arith.constant true
      %select_n3A_80 = arith.select %select_n3A_79, %sub3A_78, %select_n3A_75 : i32
      %eq3A_81 = arith.constant -1 : i32
      %eq3A_82 = arith.cmpi eq, %select_n3A_80, %eq3A_81 : i32
      %select_n3A_83 = arith.constant 12 : i32
      %select_n3A_84 = arith.select %eq3A_82, %select_n3A_83, %select_n3A_80 : i32
      %add3A_85 = arith.addi %select_n3A_84, %mul3A_6 : i32
      %add3A_86 = arith.constant 1 : i32
      %add3A_87 = arith.addi %select_n3A_75, %add3A_86 : i32
      %select_n3A_88 = arith.constant true
      %select_n3A_89 = arith.select %select_n3A_88, %add3A_87, %select_n3A_75 : i32
      %eq3A_90 = arith.constant 13 : i32
      %eq3A_91 = arith.cmpi eq, %select_n3A_89, %eq3A_90 : i32
      %select_n3A_92 = arith.constant 0 : i32
      %select_n3A_93 = arith.select %eq3A_91, %select_n3A_92, %select_n3A_89 : i32
      %add3A_94 = arith.addi %select_n3A_93, %mul3A_6 : i32
      %add3A_95 = arith.constant 1 : i32
      %add3A_96 = arith.addi %select_n3A_93, %add3A_95 : i32
      %select_n3A_97 = arith.constant true
      %select_n3A_98 = arith.select %select_n3A_97, %add3A_96, %select_n3A_93 : i32
      %eq3A_99 = arith.constant 13 : i32
      %eq3A_100 = arith.cmpi eq, %select_n3A_98, %eq3A_99 : i32
      %select_n3A_101 = arith.constant 0 : i32
      %select_n3A_102 = arith.select %eq3A_100, %select_n3A_101, %select_n3A_98 : i32
      %add3A_103 = arith.addi %select_n3A_102, %mul3A_6 : i32
      "tpu.trace_start"() <{level = 10 : i32, message = "ep_finalize"}> : () -> ()
      %rem3A_104 = arith.constant 2 : i32
      %rem3A_105 = arith.remui %scan3A_67#3, %rem3A_104 : i32
      %mul3A_106 = arith.constant 256 : i32
      %mul3A_107 = arith.muli %mul3A_106, %add3A_76 : i32
      %dma_wait3A = arith.constant 0 : i32
      %dma_wait3A_108 = arith.constant 0 : i32
      %dma_wait3A_109 = tpu.memref_slice %run_scoped3A_8[%rem3A_105, %dma_wait3A, %dma_wait3A_108] : memref<2x256x128xf32, #tpu.memory_space<vmem>> -> memref<1x256x128xf32, #tpu.memory_space<vmem>>
      %dma_wait3A_110 = tpu.memref_squeeze %dma_wait3A_109 : memref<1x256x128xf32, #tpu.memory_space<vmem>> -> memref<256x128xf32, #tpu.memory_space<vmem>>
      %dma_wait3A_111 = arith.constant 0 : i32
      %dma_wait3A_112 = tpu.memref_slice %arg4[%mul3A_107, %dma_wait3A_111] : memref<106496x128xf32, #tpu.memory_space<hbm>> -> memref<256x128xf32, #tpu.memory_space<hbm>>
      %dma_wait3A_113 = tpu.memref_slice %run_scoped3A_9[%rem3A_105] : memref<2x!tpu.dma_semaphore, #tpu.memory_space<semaphore_mem>> -> memref<1x!tpu.dma_semaphore, #tpu.memory_space<semaphore_mem>>
      %dma_wait3A_114 = tpu.memref_squeeze %dma_wait3A_113 : memref<1x!tpu.dma_semaphore, #tpu.memory_space<semaphore_mem>> -> memref<!tpu.dma_semaphore, #tpu.memory_space<semaphore_mem>>
      %dma_wait3A_115 = arith.constant 0 : i32
      %dma_wait3A_116 = tpu.memref_slice %arg4[%mul3A_107, %dma_wait3A_115] : memref<106496x128xf32, #tpu.memory_space<hbm>> -> memref<256x128xf32, #tpu.memory_space<hbm>>
      %dma_wait3A_117 = arith.constant 0 : i32
      %dma_wait3A_118 = arith.constant 0 : i32
      %dma_wait3A_119 = tpu.memref_slice %run_scoped3A_8[%rem3A_105, %dma_wait3A_117, %dma_wait3A_118] : memref<2x256x128xf32, #tpu.memory_space<vmem>> -> memref<1x256x128xf32, #tpu.memory_space<vmem>>
      %dma_wait3A_120 = tpu.memref_squeeze %dma_wait3A_119 : memref<1x256x128xf32, #tpu.memory_space<vmem>> -> memref<256x128xf32, #tpu.memory_space<vmem>>
      tpu.wait_dma2 semaphore(%dma_wait3A_114 : memref<!tpu.dma_semaphore, #tpu.memory_space<semaphore_mem>>) src(%dma_wait3A_120 : memref<256x128xf32, #tpu.memory_space<vmem>>) dst(%dma_wait3A_116 : memref<256x128xf32, #tpu.memory_space<hbm>>)
      "tpu.trace_stop"() : () -> ()
      tpu.yield
    }) : () -> ()
    return
  }
}

</mosaic_0001>

<sc_bundles>
// kernel: kernel.4.cloned.1.call-start
scs
__scs_entry_jumppad:
0x0: {  	(pc) =	sbr.rel $0x88, $3  }
0x1: {  	(tag) =	ssettag $0x0;
	lr =	simm.s32 $0x1  }
0x2: {  	[smem:$0x3F9F] =	sst lr;
	_ =	strace $0xD0000000  }
0x3: {  	_ = 	snop  }
0x4: {  	_ = 	snop  }
0x5: {  	_ = 	snop  }
0x6: {  	_ = 	snop  }
0x7: {  	_ = 	snop  }
__scs_overlays_trampoline_lowered:
0x8: {  	[smem:$0x3FAE] =	sst s0  }
0x9: {  	[smem:$0x3FAF] =	sst s1  }
0xa: {  	[smem:$0x3FB0] =	sst s2  }
0xb: {  	[smem:$0x3FB1] =	sst s3  }
0xc: {  	[smem:$0x3FB2] =	sst s4  }
0xd: {  	[smem:$0x3FB3] =	sst s5  }
0xe: {  	[smem:$0x3FB4] =	sst s6  }
0xf: {  	[smem:$0x3FB5] =	sst s7  }
0x10: {  	[smem:$0x3FB6] =	sst s8  }
0x11: {  	[smem:$0x3FB7] =	sst s9;
	s0 =	simm.s32 @!p0 $0x0  }
0x12: {  	s1 =	sld [smem:$0x3F9D];
	s0 =	simm.s32 @p0 $0x1  }
0x13: {  	[smem:$0x3FB8] =	sst s0;
	s0 =	simm.s32 @!p1 $0x0  }
0x14: {  	s2 =	sld [smem:$0x3F9C];
	s0 =	simm.s32 @p1 $0x1  }
0x15: {  	[smem:$0x3FB9] =	sst s0;
	s0 =	simm.s32 @!p2 $0x0  }
0x16: {  	s3 =	sld [smem:$0x3FDB];
	s0 =	simm.s32 @p2 $0x1  }
0x17: {  	s4 =	simm.s32 $0x1BF5;
	[smem:$0x3FBB] =	sst s0  }
0x18: {  	s0 =	sld [smem:$0x3F9E];
	_ =	swait.ge [sflag:s4], $0x0  }
0x19: {  	s7 =	sld [smem:$0x3F9F]  }
0x1a: {  	s8 =	sadd.s32 $0xFFFFE003, lr  }
0x1b: {  	s9 =	sadd.s32 $0xFFFFFEF7, lr;
	s5 =	simm.s32 $0xFFFFFFFF;
	p2 =	slt.u32 s8, $0xFFFFF086  }
0x1c: {  	p1 =	slt.u32 s9, $0xF7A;
	s5 =	simm.s32 @!p2 $0x0  }
0x1d: {  	s5 =	simm.s32 @p1 $0x1;
	p0 =	seq.s32 s7, s2  }
0x1e: {  	s7 =	smul.u32 @!p0 $0xF7A, s2;
	p2 =	seq.s32 @!p0 s5, $0x0  }
0x1f: {  	s9 =	smul.u32 $0xF7A, s1;
	s8 =	simm.s32 @!p0 $0x1BF5;
	p2 =	por !p2, p0  }
0x20: {  	[sflag:s8] =	ssyncset.s32 @!p0 $0xFFFFF086;
	s6 =	sadd.s32 @!p0 s3, s7;
	s7 =	simm.s32 @!p0 $0x108  }
0x21: {  	s3 =	sadd.s32 s3, s9;
	s6 =	sadd.s32 @!p0 $0x88, s6;
	s7 =	simm.s32 @p2 $0x1082  }
0x22: {  	[simem:s7], [sflag:s8] =	dma.local @!p0 [hbm:s6], $0xF7A  }
0x23: {  	s9 =	sor.u32 $0xD0000000, s2;
	s6 =	simm.s32 $0x108;
	_ =	swait.ge @!p0 [sflag:s8], $0x0  }
0x24: {  	s3 =	sadd.s32 $0x88, s3;
	s6 =	simm.s32 @!p1 $0x1082;
	[sflag:s4] =	ssyncset.s32 $0xFFFFF086  }
0x25: {  	[simem:s6], [sflag:s4] =	dma.local [hbm:s3], $0xF7A  }
0x26: {  	[smem:$0x3F9F] =	sst s1;
	(tag) =	ssettag s2;
	_ =	strace s9  }
0x27: {  	s1 =	sld [smem:$0x3FAF]  }
0x28: {  	s2 =	sld [smem:$0x3FB0]  }
0x29: {  	s4 =	sld [smem:$0x3FB2]  }
0x2a: {  	p0 =	seq.s32 s5, $0x0;
	s5 =	sld [smem:$0x3FB3]  }
0x2b: {  	s6 =	sld [smem:$0x3FB4]  }
0x2c: {  	s7 =	sld [smem:$0x3FB5]  }
0x2d: {  	s3 =	simm.s32 $0x108;
	s8 =	sld [smem:$0x3FB6]  }
0x2e: {  	s3 =	simm.s32 @!p0 $0x1082;
	s9 =	sld [smem:$0x3FB7]  }
0x2f: {  	lr =	sadd.s32 s0, s3;
	s0 =	sld [smem:$0x3FAE]  }
0x30: {  	s3 =	sld [smem:$0x3FB1]  }
0x31: {  	[smem:$0x3FBA] =	sst s10  }
0x32: {  	s10 =	sld [smem:$0x3FB8];
	_ =	sdelay $0x3  }
0x33: {  	p0 =	seq.s32 s10, $0x1;
	s10 =	sld [smem:$0x3FBA];
	_ =	sdelay $0x3  }
0x34: {  	[smem:$0x3FBA] =	sst s10  }
0x35: {  	s10 =	sld [smem:$0x3FB9];
	_ =	sdelay $0x3  }
0x36: {  	p1 =	seq.s32 s10, $0x1;
	s10 =	sld [smem:$0x3FBA];
	_ =	sdelay $0x3  }
0x37: {  	[smem:$0x3FBA] =	sst s10  }
0x38: {  	s10 =	sld [smem:$0x3FBB]  }
0x39: {  	_ = 	snop;
	(pc) =	sbr.ind lr, $3  }
0x3a: {  	_ = 	snop  }
0x3b: {  	_ = 	snop  }
0x3c: {  	p2 =	seq.s32 s10, $0x1;
	s10 =	sld [smem:$0x3FBA]  }
0x3d: {  	_ =	shalt  }
0x3e: {  	_ =	shalt  }
0x3f: {  	_ =	shalt  }
0x40: {  	_ =	shalt  }
0x41: {  	_ =	shalt  }
0x42: {  	_ =	shalt  }
0x43: {  	_ =	shalt  }
0x44: {  	_ =	shalt  }
0x45: {  	_ =	shalt  }
0x46: {  	_ =	shalt  }
0x47: {  	_ =	shalt  }
0x48: {  	_ =	shalt  }
0x49: {  	_ =	shalt  }
0x4a: {  	_ =	shalt  }
0x4b: {  	_ =	shalt  }
0x4c: {  	_ =	shalt  }
0x4d: {  	_ =	shalt  }
0x4e: {  	_ =	shalt  }
0x4f: {  	_ =	shalt  }
0x50: {  	_ =	shalt  }
0x51: {  	_ =	shalt  }
0x52: {  	_ =	shalt  }
0x53: {  	_ =	shalt  }
0x54: {  	_ =	shalt  }
0x55: {  	_ =	shalt  }
0x56: {  	_ =	shalt  }
0x57: {  	_ =	shalt  }
0x58: {  	_ =	shalt  }
0x59: {  	_ =	shalt  }
0x5a: {  	_ =	shalt  }
0x5b: {  	_ =	shalt  }
0x5c: {  	_ =	shalt  }
0x5d: {  	_ =	shalt  }
0x5e: {  	_ =	shalt  }
0x5f: {  	_ =	shalt  }
0x60: {  	_ =	shalt  }
0x61: {  	_ =	shalt  }
0x62: {  	_ =	shalt  }
0x63: {  	_ =	shalt  }
0x64: {  	_ =	shalt  }
0x65: {  	_ =	shalt  }
0x66: {  	_ =	shalt  }
0x67: {  	_ =	shalt  }
0x68: {  	_ =	shalt  }
0x69: {  	_ =	shalt  }
0x6a: {  	_ =	shalt  }
0x6b: {  	_ =	shalt  }
0x6c: {  	_ =	shalt  }
0x6d: {  	_ =	shalt  }
0x6e: {  	_ =	shalt  }
0x6f: {  	_ =	shalt  }
0x70: {  	_ =	shalt  }
0x71: {  	_ =	shalt  }
0x72: {  	_ =	shalt  }
0x73: {  	_ =	shalt  }
0x74: {  	_ =	shalt  }
0x75: {  	_ =	shalt  }
0x76: {  	_ =	shalt  }
0x77: {  	_ =	shalt  }
0x78: {  	_ =	shalt  }
0x79: {  	_ =	shalt  }
0x7a: {  	_ =	shalt  }
0x7b: {  	_ =	shalt  }
0x7c: {  	_ =	shalt  }
0x7d: {  	_ =	shalt  }
0x7e: {  	_ =	shalt  }
0x7f: {  	_ =	shalt  }
0x80: {  	_ =	shalt  }
0x81: {  	_ =	shalt  }
0x82: {  	_ =	shalt  }
0x83: {  	_ =	shalt  }
0x84: {  	_ =	shalt  }
0x85: {  	_ =	shalt  }
0x86: {  	_ =	shalt  }
0x87: {  	_ =	shalt  }
.Lfunc_end0:
.L_simem_size_0:
called_computation.1_lowered:
.L_overlay_start_0:
0x88: {  	s2 =	sld [smem:$0x3FD9]  }
0x89: {  	s3 =	sld [smem:$0x3FFE];
	_ =	sdelay $0x1  }
0x8a: {  	s1 =	srdreg.scid  }
0x8b: {  	s0 =	sand.u32 $0x1, s1  }
0x8c: {  	s17 =	sshll.u32 s0, $0xA;
	s2 =	sadd.s32 s3, s2  }
0x8d: {  	s2 =	sadd.s32 s2, s17  }
0x8e: {  	[smem:$0x3FC6] =	sst s2  }
0x8f: {  	_ = 	snop  }
0x90: {  	s2 =	sld [smem:$0x3FD0];
	(tm) =	ssettm $0x1  }
0x91: {  	s18 =	sld [smem:$0x3FFB];
	_ =	sdelay $0x3  }
0x92: {  	_ =	strace s18  }
0x93: {  	s3 =	sld [smem:$0x3FFC];
	_ =	sdelay $0x3  }
0x94: {  	_ =	strace s3  }
0x95: {  	s3 =	sld [smem:$0x3FFD];
	_ =	sdelay $0x3  }
0x96: {  	_ =	strace s3  }
0x97: {  	_ =	strace $0x8FFFFFFF  }
0x98: {  	s19 =	sld [smem:$0x3FDB];
	_ =	sdelay $0x1  }
0x99: {  	s4 =	simm.s32 $_scs_section_size  }
0x9a: {  	s5 =	simm.s32 $_size__tile_overlayer_lowered;
	s6 =	simm.s32 $_tile_overlayer_lowered  }
0x9b: {  	s22 =	simm.s32 $0x1BFF;
	s21 =	sshll.u32 s6, $0x1;
	s3 =	sadd.s32 s4, s19  }
0x9c: {  	s7 =	simm.s32 $0x0;
	s20 =	sshll.u32 s5, $0x1;
	s5 =	sadd.s32 s21, s3  }
0x9d: {  	[timem:s7], [sflag:s22] =	dma.local [hbm:s5], s20  }
0x9e: {  	_ =	swait.ge [sflag:s22], s20  }
0x9f: {  	s4 =	ssub.s32 $0x0, s20;
	[sflag:s22] =	ssyncset.done $0x0  }
0xa0: {  	[sflag:s22] =	ssyncadd.s32 s4;
	_ =	sdelay $0x1  }
0xa1: {  	s23 =	simm.s32 $0x1B8B  }
0xa2: {  	_ =	swait.ge [sflag:s23], $0x1  }
0xa3: {  	[sflag:s23] =	ssyncset.done $0x0  }
0xa4: {  	s25 =	simm.s32 $0x1B8E;
	s24 =	sld [smem:$0x3FFE];
	[sflag:s23] =	ssyncadd.s32 $0xFFFFFFFF  }
0xa5: {  	s26 =	simm.s32 $execute0_lowered;
	[smem:$0x3FD2] =	sst s25  }
0xa6: {  	s5 =	sshll.u32 s26, $0x1;
	_ =	strace $0x80000046;
	[dreg:$0x1] =	wrdreg $0xFFFFFFFF  }
0xa7: {  	s28 =	simm.s32 $_size_execute0_lowered;
	s3 =	sadd.s32 s3, s5;
	[dreg:$0x0] =	wrdreg $0x0  }
0xa8: {  	s5 =	sshll.u32 s28, $0x1;
	[dreg:$0x2] =	wrdreg s3  }
0xa9: {  	[dreg:$0x3] =	wrdreg s5  }
0xaa: {  	[dreg:$0x4] =	wrdreg $0xC0  }
0xab: {  	_ =	task [dreg:s7], $0x5FFFF  }
0xac: {  	[dreg:$0x1] =	wrdreg $0xFFFFFFFF  }
0xad: {  	[dreg:$0x0] =	wrdreg $0x60  }
0xae: {  	[dreg:$0x2] =	wrdreg s24  }
0xaf: {  	[dreg:$0x3] =	wrdreg s2  }
0xb0: {  	[dreg:$0x4] =	wrdreg $0x9  }
0xb1: {  	_ =	task.clear_ibuf [dreg:s7], $0x5FFFF;
	_ =	strace $0x90000046  }
0xb2: {  	s29 =	simm.s32 $0x9;
	_ =	strace $0x8000004F  }
0xb3: {  	_ =	swait.ge [sflag:s29], $0x1  }
0xb4: {  	[sflag:s29] =	ssyncadd.s32 $0xFFFFFFFF  }
0xb5: {  	_ =	strace $0x9000004F  }
0xb6: {  	_ =	sfence  }
0xb7: {  	s30 =	sld [smem:$0x0];
	_ =	sdelay $0x2  }
0xb8: {  	s31 =	sshll.u32 s1, $0xD;
	s1 =	sshrl.u32 s1, $0x2  }
0xb9: {  	s3 =	sand.u32 $0x4000, s31;
	s1 =	sadd.s32 s1, s30  }
0xba: {  	s0 =	sor.u32 s3, s0;
	s1 =	sshll.u32 s1, $0x11  }
0xbb: {  	s0 =	sor.u32 s1, s0  }
0xbc: {  	s0 =	sadd.s32 $0x8F2B, s0  }
0xbd: {  	[sflag:s0] =	ssyncadd.remote.s32 $0x1  }
0xbe: {  	_ =	sfence.sel $0xFFFF  }
0xbf: {  	[dreg:$0x0] =	wrdreg $0xFFFFFFFF;
	(pc) =	sbr.abs _section_cstart, $3  }
0xc0: {  	[dreg:$0x1] =	wrdreg $0xFFFFFFFF  }
0xc1: {  	_ =	task.clear_ibuf [dreg:s7], $0x2FFFF;
	_ =	strace $0x9FFFFFFF  }
0xc2: {  	(tm) =	ssettm $0x7FFFFFFF  }
0xc3: {  	_ =	shalt  }
tec
execute0_lowered:
.L_overlay_start_1:
0x0: {  	(tag) =	ssettag $0x1  }
0x1: {  	s3 =	rddreg [dreg:$0x0]  }
0x2: {  	s0 =	rddreg [dreg:$0x1];
	s1 =	srdreg.scid;
	s2 =	simm.s32 $0x0  }
0x3: {  	s31 =	simm.s32 $0x100;
	s9 =	simm.s32 $0x3;
	[dreg:$0x5] =	wrdreg s0  }
0x4: {  	s10 =	simm.s32 $0x0;
	s0 =	rddreg [dreg:$0x2];
	s4 =	sand.u32 $0x1, s1  }
0x5: {  	[smem:$0x7FF] =	sst s2;
	s1 =	stileid.u32;
	s6 =	sadd.s32 $0x4000, s3  }
0x6: {  	s3 =	sadd.s32 $0xC00, s3;
	s5 =	sshll.u32 s4, $0x4;
	_ =	strace $0x80000047  }
0x7: {  	s4 =	ssub.s32 $0x2, s4;
	[dreg:$0x3] =	wrdreg s6;
	s5 =	sor.u32 s1, s5  }
0x8: {  	[dreg:$0x4] =	wrdreg s31;
	s7 =	sshrl.u32 s4, $0x1;
	s8 =	smul.u32 $0x1A0, s5  }
0x9: {  	s30 =	ssub.s32 s4, s7;
	s4 =	smul.u32 $0xD, s5;
	s7 =	simm.s32 $0x1  }
0xa: {  	s6 =	smax.u32 s30, $0x1;
	s5 =	sadd.s32 s3, s8;
	s8 =	simm.s32 $0x5  }
.LBB2_1:
0xb: {  	_ =	strace $0x80000048;
	s11 =	simm.s32 $0x1;
	p0 =	por $0x0, $0x0  }
0xc: {  	[tilespmem:s2], [sflag:$0x1] =	stream.linear.gather [hbm4b:s5+s2], $0x100, $0x200038;
	[tilespmem:$0x10200] =	vst v63  }
0xd: {  	s11 =	simm.s32 @p0 $0x0  }
0xe: {  	p4 =	por $0x1, $0x1;
	s20 =	sand.u32 $0x1, s2;
	p1 =	sne.s32 s11, $0x0  }
0xf: {  	p2 =	por $0x1, $0x1;
	s18 =	simm.s32 $0xB;
	p0 =	por !p4, !p1  }
0x10: {  	s16 =	simm.s32 $0x0;
	p5 =	por $0x0, $0x0;
	p0 =	por !p0, !p0  }
0x11: {  	s23 =	sadd.s32 $0x0, s4;
	s30 =	sadd.s32 $0x1, s20;
	s12 =	sadd.s32 @p0 s4, s11  }
0x12: {  	_ =	strace $0x90000048;
	s13 =	sand.u32 @p0 $0x1, s7;
	s12 =	sshll.u32 @p0 s12, $0x5  }
0x13: {  	_ =	strace @p0 $0x80000049;
	s15 =	simm.s32 @p0 $0x0;
	s12 =	sand.u32 @p0 $0x1FFFFFE0, s12  }
0x14: {  	s14 =	sshll.u32 @p0 s13, $0x8;
	s13 =	sadd.s32 @p0 $0x1, s13;
	s12 =	sadd.s32 @p0 s3, s12  }
0x15: {  	[tilespmem:s14], [sflag:s13] =	stream.linear.gather @p0 [hbm4b:s12+s15], $0x100, $0x200038;
	[tilespmem:$0x10200] =	vst v63  }
0x16: {  	p3 =	por p2, p2;
	s21 =	sshll.u32 s20, $0xF;
	_ =	strace @p0 $0x90000049  }
0x17: {  	s16 =	sand.u32 $0x100, s16;
	p2 =	por p5, p5;
	_ =	strace $0x8000004A  }
0x18: {  	s17 =	sadd.s32 $0x1, s11;
	s22 =	sor.u32 $0x200, s21;
	_ =	swait.ge [sflag:s30], $0x100  }
0x19: {  	s21 =	simm.s32 $0x1;
	p6 =	por p1, p1;
	[sflag:s30] =	ssyncset.done $0x0  }
0x1a: {  	p1 =	por p3, p3;
	p4 =	por $0x1, $0x1;
	[sflag:s30] =	ssyncadd.s32 $0xFFFFFF00  }
0x1b: {  	s12 =	simm.s32 $0xC;
	s15 =	sand.u32 @!p3 $0x1, s2;
	_ =	strace $0x9000004A  }
0x1c: {  	s13 =	simm.s32 $0x1;
	p3 =	seq.s32 s17, $0xD;
	_ =	strace $0x8000004B  }
0x1d: {  	s13 =	simm.s32 @!p0 $0x0;
	s17 =	simm.s32 @p3 $0x0;
	s19 =	rddreg [dreg:$0x4]  }
0x1e: {  	p0 =	por $0x0, $0x0;
	s14 =	sadd.s32 $0x1, s13;
	s31 =	rddreg [dreg:$0x3]  }
0x1f: {  	[tilespmem:s22], [sflag:$0x5] =	stream.indirect.gather [hbm4b:s31+s19], $0x80, s16, s19, $0x2000b8;
	[tilespmem:$0x10200] =	vst v63  }
0x20: {  	p3 =	sne.s32 s11, s17;
	s21 =	simm.s32 @!p0 $0x0;
	_ =	swait.ge [sflag:s8], $0x8000  }
0x21: {  	p5 =	por !p4, !p3;
	p4 =	por $0x0, $0x0;
	[sflag:s8] =	ssyncset.done $0x0  }
0x22: {  	s13 =	simm.s32 $0x0;
	p6 =	por p4, p6;
	[sflag:s8] =	ssyncadd.s32 $0xFFFF8000  }
0x23: {  	s16 =	simm.s32 $0x0;
	s19 =	simm.s32 $0x0;
	_ =	strace $0x9000004B  }
.LBB2_2:
0x24: {  	_ =	strace @p6 $0x8000004C;
	s13 =	sadd.s32 s21, s13;
	s21 =	smov.u32 s12  }
0x25: {  	s12 =	smov.u32 s18;
	s18 =	sadd.s32 $0xFFFFFFFF, s18;
	p0 =	por p3, p3  }
0x26: {  	s28 =	sshll.u32 @p6 s23, $0xC;
	s20 =	sadd.s32 @p6 $0x3, s20;
	s24 =	simm.s32 @!p0 $0x0  }
0x27: {  	s25 =	rddreg [dreg:$0x5];
	s28 =	sand.u32 @p6 $0x1FFFF000, s28;
	s24 =	simm.s32 @p0 $0x1  }
0x28: {  	s25 =	sadd.s32 @p6 s25, s28;
	s28 =	simm.s32 @p6 $0x0;
	p0 =	sne.s32 s18, $0x0  }
0x29: {  	[hbm4b:s25+s28] =	stream.linear.scatter @p6 [tilespmem:s22], [sflag:s20], $0x8000, $0x200038;
	[tilespmem:$0x10200] =	vst v63  }
0x2a: {  	s20 =	sadd.s32 @!p1 $0x3, s15;
	s15 =	simm.s32 @!p0 $0x0  }
0x2b: {  	s26 =	simm.s32 $0x1;
	[smem:$0x7FC] =	sst s24;
	s15 =	simm.s32 @p0 $0x1  }
0x2c: {  	s26 =	simm.s32 @!p6 $0x0;
	_ =	strace @p6 $0x9000004C;
	[smem:$0x7FD] =	sst s15  }
0x2d: {  	p5 =	por !p5, !p5;
	s19 =	sadd.s32 s26, s19;
	_ =	strace @!p1 $0x8000004D  }
0x2e: {  	s24 =	sand.u32 @!p2 $0x1, s13;
	s22 =	sand.u32 @p5 $0x1, s14;
	_ =	swait.ge @!p1 [sflag:s20], $0x8000  }
0x2f: {  	s15 =	smov.u32 s24;
	s24 =	sadd.s32 @p5 s4, s17;
	[sflag:s20] =	ssyncset.done @!p1 $0x0  }
0x30: {  	s25 =	sshll.u32 @p5 s22, $0x8;
	s24 =	sshll.u32 @p5 s24, $0x5;
	[sflag:s20] =	ssyncadd.s32 @!p1 $0xFFFF8000  }
0x31: {  	s20 =	sadd.s32 @p5 $0x1, s22;
	s22 =	sand.u32 @p5 $0x1FFFFFE0, s24;
	_ =	strace @!p1 $0x9000004D  }
0x32: {  	s24 =	simm.s32 @p5 $0x0;
	s22 =	sadd.s32 @p5 s3, s22;
	_ =	strace @p5 $0x80000049  }
0x33: {  	[tilespmem:s25], [sflag:s20] =	stream.linear.gather @p5 [hbm4b:s22+s24], $0x100, $0x200038;
	[tilespmem:$0x10200] =	vst v63  }
0x34: {  	s16 =	sadd.s32 s26, s16;
	s26 =	sand.u32 $0x1, s19;
	_ =	strace @p5 $0x90000049  }
0x35: {  	s24 =	sadd.s32 $0x1, s26;
	_ =	strace $0x8000004A  }
0x36: {  	_ =	swait.ge [sflag:s24], $0x100  }
0x37: {  	[sflag:s24] =	ssyncset.done $0x0  }
0x38: {  	s20 =	simm.s32 $0x1;
	[sflag:s24] =	ssyncadd.s32 $0xFFFFFF00  }
0x39: {  	s20 =	simm.s32 @!p5 $0x0;
	_ =	strace $0x9000004A  }
0x3a: {  	s14 =	sadd.s32 s20, s14;
	s20 =	sand.u32 $0x1, s16;
	_ =	strace $0x8000004B  }
0x3b: {  	s29 =	sshll.u32 s19, $0x8;
	s25 =	sshll.u32 s20, $0xF;
	s26 =	rddreg [dreg:$0x4]  }
0x3c: {  	s29 =	sand.u32 $0x100, s29;
	s22 =	sor.u32 $0x200, s25;
	s30 =	rddreg [dreg:$0x3]  }
0x3d: {  	[tilespmem:s22], [sflag:$0x5] =	stream.indirect.gather [hbm4b:s30+s26], $0x80, s29, s26, $0x2000b8;
	[tilespmem:$0x10200] =	vst v63  }
0x3e: {  	_ =	swait.ge [sflag:s8], $0x8000  }
0x3f: {  	s31 =	sadd.s32 $0x1, s17;
	[sflag:s8] =	ssyncset.done $0x0  }
0x40: {  	s23 =	sadd.s32 s4, s11;
	s11 =	smov.u32 s17;
	[sflag:s8] =	ssyncadd.s32 $0xFFFF8000  }
0x41: {  	p3 =	seq.s32 s31, $0xD;
	s17 =	smov.u32 s31;
	_ =	strace $0x9000004B  }
0x42: {  	s17 =	simm.s32 @p3 $0x0;
	s31 =	sld [smem:$0x7FD]  }
0x43: {  	p6 =	sne.s32 s12, $0x1;
	p0 =	sne.s32 s21, $0xD;
	p3 =	sne.s32 s11, s17  }
0x44: {  	p5 =	por !p6, !p3;
	p6 =	seq.s32 s21, $0x1;
	s21 =	simm.s32 $0x1  }
0x45: {  	s21 =	simm.s32 @!p0 $0x0;
	p0 =	seq.s32 s31, $0x1  }
.Ltmp0:
0x46: {  	s30 =	sld [smem:$0x7FC];
	(pc) =	sbr.rel @p0 .LBB2_2-.Ltmp0, $4  }
0x47: {  	_ = 	snop  }
0x48: {  	p4 =	seq.s32 s12, $0xD  }
0x49: {  	p1 =	por p2, p2;
	p2 =	por p4, p4;
	p4 =	seq.s32 s30, $0x1  }
0x4a: {  	p6 =	por p6, p4  }
0x4b: {  	_ =	strace @p6 $0x8000004C;
	s23 =	sshll.u32 @p6 s23, $0xC  }
0x4c: {  	s18 =	rddreg [dreg:$0x5];
	s23 =	sand.u32 @p6 $0x1FFFF000, s23  }
0x4d: {  	s20 =	sadd.s32 @p6 $0x3, s20;
	s18 =	sadd.s32 @p6 s18, s23;
	s23 =	simm.s32 @p6 $0x0  }
0x4e: {  	[hbm4b:s18+s23] =	stream.linear.scatter @p6 [tilespmem:s22], [sflag:s20], $0x8000, $0x200038;
	[tilespmem:$0x10200] =	vst v63  }
0x4f: {  	p0 =	por !p5, !p5;
	_ =	strace @p6 $0x9000004C  }
0x50: {  	s15 =	sadd.s32 @!p1 $0x3, s15;
	s17 =	sadd.s32 @p0 s4, s17;
	_ =	strace @!p1 $0x8000004D  }
0x51: {  	s14 =	sand.u32 @p0 $0x1, s14;
	s17 =	sshll.u32 @p0 s17, $0x5;
	_ =	swait.ge @!p1 [sflag:s15], $0x8000  }
0x52: {  	s18 =	simm.s32 $0x1;
	s20 =	sshll.u32 @p0 s14, $0x8;
	[sflag:s15] =	ssyncset.done @!p1 $0x0  }
0x53: {  	s14 =	sadd.s32 @p0 $0x1, s14;
	s18 =	simm.s32 @!p6 $0x0;
	[sflag:s15] =	ssyncadd.s32 @!p1 $0xFFFF8000  }
0x54: {  	s19 =	sadd.s32 s18, s19;
	s15 =	sand.u32 @p0 $0x1FFFFFE0, s17;
	_ =	strace @!p1 $0x9000004D  }
0x55: {  	s17 =	simm.s32 @p0 $0x0;
	s15 =	sadd.s32 @p0 s3, s15;
	_ =	strace @p0 $0x80000049  }
0x56: {  	[tilespmem:s20], [sflag:s14] =	stream.linear.gather @p0 [hbm4b:s15+s17], $0x100, $0x200038;
	[tilespmem:$0x10200] =	vst v63  }
0x57: {  	s25 =	sand.u32 $0x1, s19;
	_ =	strace @p0 $0x90000049  }
0x58: {  	s14 =	sadd.s32 $0x1, s25;
	_ =	strace $0x8000004A  }
0x59: {  	_ =	swait.ge [sflag:s14], $0x100  }
0x5a: {  	[sflag:s14] =	ssyncset.done $0x0  }
0x5b: {  	[sflag:s14] =	ssyncadd.s32 $0xFFFFFF00  }
0x5c: {  	s26 =	sadd.s32 s18, s16;
	_ =	strace $0x9000004A  }
0x5d: {  	s14 =	sand.u32 $0x1, s26;
	_ =	strace $0x8000004B  }
0x5e: {  	s30 =	sshll.u32 s19, $0x8;
	s31 =	sshll.u32 s14, $0xF;
	s28 =	rddreg [dreg:$0x4]  }
0x5f: {  	s17 =	sand.u32 $0x100, s30;
	s18 =	sor.u32 $0x200, s31;
	s29 =	rddreg [dreg:$0x3]  }
0x60: {  	[tilespmem:s18], [sflag:$0x5] =	stream.indirect.gather [hbm4b:s29+s28], $0x80, s17, s28, $0x2000b8;
	[tilespmem:$0x10200] =	vst v63  }
0x61: {  	_ =	swait.ge [sflag:s8], $0x8000  }
0x62: {  	[sflag:s8] =	ssyncset.done $0x0  }
0x63: {  	p5 =	por p3, p3;
	p6 =	seq.s32 s12, $0x1;
	[sflag:s8] =	ssyncadd.s32 $0xFFFF8000  }
0x64: {  	s11 =	sadd.s32 s4, s11;
	p0 =	por p6, p5;
	_ =	strace $0x9000004B  }
0x65: {  	s11 =	sshll.u32 @p0 s11, $0xC;
	_ =	strace @p0 $0x8000004C  }
0x66: {  	s13 =	sadd.s32 s21, s13;
	s11 =	sand.u32 @p0 $0x1FFFF000, s11;
	s12 =	rddreg [dreg:$0x5]  }
0x67: {  	s14 =	sadd.s32 @p0 $0x3, s14;
	s11 =	sadd.s32 @p0 s12, s11;
	s12 =	simm.s32 @p0 $0x0  }
0x68: {  	[hbm4b:s11+s12] =	stream.linear.scatter @p0 [tilespmem:s18], [sflag:s14], $0x8000, $0x200038;
	[tilespmem:$0x10200] =	vst v63  }
0x69: {  	p1 =	por p2, p2;
	s11 =	sand.u32 @!p2 $0x1, s13;
	_ =	strace @p0 $0x9000004C  }
0x6a: {  	s11 =	sadd.s32 @!p1 $0x3, s11;
	_ =	strace @!p1 $0x8000004D  }
0x6b: {  	_ =	swait.ge @!p1 [sflag:s11], $0x8000  }
0x6c: {  	[sflag:s11] =	ssyncset.done @!p1 $0x0  }
0x6d: {  	s10 =	sadd.s32 $0x1, s10;
	[sflag:s11] =	ssyncadd.s32 @!p1 $0xFFFF8000  }
0x6e: {  	p0 =	sne.s32 s10, s6;
	_ =	strace @!p1 $0x9000004D  }
.Ltmp1:
0x6f: {  	_ =	strace $0x8000004E;
	(pc) =	sbr.rel @p0 .LBB2_1-.Ltmp1, $4  }
0x70: {  	_ =	swait.ge [sflag:s9], $0x8000  }
0x71: {  	[sflag:s9] =	ssyncset.done $0x0  }
0x72: {  	[sflag:s9] =	ssyncadd.s32 $0xFFFF8000  }
0x73: {  	_ =	strace $0x9000004E  }
0x74: {  	_ =	sfence.sel $0x180000  }
0x75: {  	[bflag:$0x0] =	sbarrier.arrive $0xFFFF  }
0x76: {  	p0 =	sne.s32 s1, $0x0;
	_ =	strace $0x90000047  }
0x77: {  	s0 =	sadd.s32 @!p0 $0x100000, s0;
	[bflag:$0x2] =	sbarrier.arrive $0xFFFF  }
0x78: {  	[sflag:s0] =	ssyncadd.tile.s32 @!p0 $0x1;
	_ =	shalt  }
.Lfunc_end2:
_tile_overlayer_lowered:
.L_overlay_start_2:
0x79: {  	(tag) =	ssettag $0x2  }
0x7a: {  	s0 =	rddreg [dreg:$0x0];
	s2 =	stileid.u32  }
0x7b: {  	s1 =	rddreg [dreg:$0x1];
	p0 =	sne.s32 s2, $0x0  }
0x7c: {  	s3 =	rddreg [dreg:$0x2];
	[bflag:$0x3] =	sbarrier.arrive $0xFFFF;
	s2 =	simm.s32 @!p0 $0x1C01  }
0x7d: {  	[timem:s3], [sflag:s2] =	dma.local @!p0 [hbm:s0], s1  }
0x7e: {  	s0 =	simm.s32 @!p0 $0x1  }
0x7f: {  	_ =	swait.ge @!p0 [sflag:s0], s1  }
0x80: {  	s1 =	ssub.s32 @!p0 $0x0, s1;
	[sflag:s0] =	ssyncset.done @!p0 $0x0  }
0x81: {  	[sflag:s0] =	ssyncadd.s32 @!p0 s1  }
0x82: {  	[bflag:$0x3] =	sbarrier.arrive $0xFFFF  }
0x83: {  	_ =	shalt  }

// kernel: kernel.7.cloned.1.call-start
scs
__scs_entry_jumppad:
0x0: {  	(pc) =	sbr.rel $0x88, $3  }
0x1: {  	(tag) =	ssettag $0x0;
	lr =	simm.s32 $0x1  }
0x2: {  	[smem:$0x3F9F] =	sst lr;
	_ =	strace $0xD0000000  }
0x3: {  	_ = 	snop  }
0x4: {  	_ = 	snop  }
0x5: {  	_ = 	snop  }
0x6: {  	_ = 	snop  }
0x7: {  	_ = 	snop  }
__scs_overlays_trampoline_lowered:
0x8: {  	[smem:$0x3FAE] =	sst s0  }
0x9: {  	[smem:$0x3FAF] =	sst s1  }
0xa: {  	[smem:$0x3FB0] =	sst s2  }
0xb: {  	[smem:$0x3FB1] =	sst s3  }
0xc: {  	[smem:$0x3FB2] =	sst s4  }
0xd: {  	[smem:$0x3FB3] =	sst s5  }
0xe: {  	[smem:$0x3FB4] =	sst s6  }
0xf: {  	[smem:$0x3FB5] =	sst s7  }
0x10: {  	[smem:$0x3FB6] =	sst s8  }
0x11: {  	[smem:$0x3FB7] =	sst s9;
	s0 =	simm.s32 @!p0 $0x0  }
0x12: {  	s1 =	sld [smem:$0x3F9D];
	s0 =	simm.s32 @p0 $0x1  }
0x13: {  	[smem:$0x3FB8] =	sst s0;
	s0 =	simm.s32 @!p1 $0x0  }
0x14: {  	s2 =	sld [smem:$0x3F9C];
	s0 =	simm.s32 @p1 $0x1  }
0x15: {  	[smem:$0x3FB9] =	sst s0;
	s0 =	simm.s32 @!p2 $0x0  }
0x16: {  	s3 =	sld [smem:$0x3FDB];
	s0 =	simm.s32 @p2 $0x1  }
0x17: {  	s4 =	simm.s32 $0x1BF5;
	[smem:$0x3FBB] =	sst s0  }
0x18: {  	s0 =	sld [smem:$0x3F9E];
	_ =	swait.ge [sflag:s4], $0x0  }
0x19: {  	s7 =	sld [smem:$0x3F9F]  }
0x1a: {  	s8 =	sadd.s32 $0xFFFFE003, lr  }
0x1b: {  	s9 =	sadd.s32 $0xFFFFFEF7, lr;
	s5 =	simm.s32 $0xFFFFFFFF;
	p2 =	slt.u32 s8, $0xFFFFF086  }
0x1c: {  	p1 =	slt.u32 s9, $0xF7A;
	s5 =	simm.s32 @!p2 $0x0  }
0x1d: {  	s5 =	simm.s32 @p1 $0x1;
	p0 =	seq.s32 s7, s2  }
0x1e: {  	s7 =	smul.u32 @!p0 $0xF7A, s2;
	p2 =	seq.s32 @!p0 s5, $0x0  }
0x1f: {  	s9 =	smul.u32 $0xF7A, s1;
	s8 =	simm.s32 @!p0 $0x1BF5;
	p2 =	por !p2, p0  }
0x20: {  	[sflag:s8] =	ssyncset.s32 @!p0 $0xFFFFF086;
	s6 =	sadd.s32 @!p0 s3, s7;
	s7 =	simm.s32 @!p0 $0x108  }
0x21: {  	s3 =	sadd.s32 s3, s9;
	s6 =	sadd.s32 @!p0 $0x88, s6;
	s7 =	simm.s32 @p2 $0x1082  }
0x22: {  	[simem:s7], [sflag:s8] =	dma.local @!p0 [hbm:s6], $0xF7A  }
0x23: {  	s9 =	sor.u32 $0xD0000000, s2;
	s6 =	simm.s32 $0x108;
	_ =	swait.ge @!p0 [sflag:s8], $0x0  }
0x24: {  	s3 =	sadd.s32 $0x88, s3;
	s6 =	simm.s32 @!p1 $0x1082;
	[sflag:s4] =	ssyncset.s32 $0xFFFFF086  }
0x25: {  	[simem:s6], [sflag:s4] =	dma.local [hbm:s3], $0xF7A  }
0x26: {  	[smem:$0x3F9F] =	sst s1;
	(tag) =	ssettag s2;
	_ =	strace s9  }
0x27: {  	s1 =	sld [smem:$0x3FAF]  }
0x28: {  	s2 =	sld [smem:$0x3FB0]  }
0x29: {  	s4 =	sld [smem:$0x3FB2]  }
0x2a: {  	p0 =	seq.s32 s5, $0x0;
	s5 =	sld [smem:$0x3FB3]  }
0x2b: {  	s6 =	sld [smem:$0x3FB4]  }
0x2c: {  	s7 =	sld [smem:$0x3FB5]  }
0x2d: {  	s3 =	simm.s32 $0x108;
	s8 =	sld [smem:$0x3FB6]  }
0x2e: {  	s3 =	simm.s32 @!p0 $0x1082;
	s9 =	sld [smem:$0x3FB7]  }
0x2f: {  	lr =	sadd.s32 s0, s3;
	s0 =	sld [smem:$0x3FAE]  }
0x30: {  	s3 =	sld [smem:$0x3FB1]  }
0x31: {  	[smem:$0x3FBA] =	sst s10  }
0x32: {  	s10 =	sld [smem:$0x3FB8];
	_ =	sdelay $0x3  }
0x33: {  	p0 =	seq.s32 s10, $0x1;
	s10 =	sld [smem:$0x3FBA];
	_ =	sdelay $0x3  }
0x34: {  	[smem:$0x3FBA] =	sst s10  }
0x35: {  	s10 =	sld [smem:$0x3FB9];
	_ =	sdelay $0x3  }
0x36: {  	p1 =	seq.s32 s10, $0x1;
	s10 =	sld [smem:$0x3FBA];
	_ =	sdelay $0x3  }
0x37: {  	[smem:$0x3FBA] =	sst s10  }
0x38: {  	s10 =	sld [smem:$0x3FBB]  }
0x39: {  	_ = 	snop;
	(pc) =	sbr.ind lr, $3  }
0x3a: {  	_ = 	snop  }
0x3b: {  	_ = 	snop  }
0x3c: {  	p2 =	seq.s32 s10, $0x1;
	s10 =	sld [smem:$0x3FBA]  }
0x3d: {  	_ =	shalt  }
0x3e: {  	_ =	shalt  }
0x3f: {  	_ =	shalt  }
0x40: {  	_ =	shalt  }
0x41: {  	_ =	shalt  }
0x42: {  	_ =	shalt  }
0x43: {  	_ =	shalt  }
0x44: {  	_ =	shalt  }
0x45: {  	_ =	shalt  }
0x46: {  	_ =	shalt  }
0x47: {  	_ =	shalt  }
0x48: {  	_ =	shalt  }
0x49: {  	_ =	shalt  }
0x4a: {  	_ =	shalt  }
0x4b: {  	_ =	shalt  }
0x4c: {  	_ =	shalt  }
0x4d: {  	_ =	shalt  }
0x4e: {  	_ =	shalt  }
0x4f: {  	_ =	shalt  }
0x50: {  	_ =	shalt  }
0x51: {  	_ =	shalt  }
0x52: {  	_ =	shalt  }
0x53: {  	_ =	shalt  }
0x54: {  	_ =	shalt  }
0x55: {  	_ =	shalt  }
0x56: {  	_ =	shalt  }
0x57: {  	_ =	shalt  }
0x58: {  	_ =	shalt  }
0x59: {  	_ =	shalt  }
0x5a: {  	_ =	shalt  }
0x5b: {  	_ =	shalt  }
0x5c: {  	_ =	shalt  }
0x5d: {  	_ =	shalt  }
0x5e: {  	_ =	shalt  }
0x5f: {  	_ =	shalt  }
0x60: {  	_ =	shalt  }
0x61: {  	_ =	shalt  }
0x62: {  	_ =	shalt  }
0x63: {  	_ =	shalt  }
0x64: {  	_ =	shalt  }
0x65: {  	_ =	shalt  }
0x66: {  	_ =	shalt  }
0x67: {  	_ =	shalt  }
0x68: {  	_ =	shalt  }
0x69: {  	_ =	shalt  }
0x6a: {  	_ =	shalt  }
0x6b: {  	_ =	shalt  }
0x6c: {  	_ =	shalt  }
0x6d: {  	_ =	shalt  }
0x6e: {  	_ =	shalt  }
0x6f: {  	_ =	shalt  }
0x70: {  	_ =	shalt  }
0x71: {  	_ =	shalt  }
0x72: {  	_ =	shalt  }
0x73: {  	_ =	shalt  }
0x74: {  	_ =	shalt  }
0x75: {  	_ =	shalt  }
0x76: {  	_ =	shalt  }
0x77: {  	_ =	shalt  }
0x78: {  	_ =	shalt  }
0x79: {  	_ =	shalt  }
0x7a: {  	_ =	shalt  }
0x7b: {  	_ =	shalt  }
0x7c: {  	_ =	shalt  }
0x7d: {  	_ =	shalt  }
0x7e: {  	_ =	shalt  }
0x7f: {  	_ =	shalt  }
0x80: {  	_ =	shalt  }
0x81: {  	_ =	shalt  }
0x82: {  	_ =	shalt  }
0x83: {  	_ =	shalt  }
0x84: {  	_ =	shalt  }
0x85: {  	_ =	shalt  }
0x86: {  	_ =	shalt  }
0x87: {  	_ =	shalt  }
.Lfunc_end0:
.L_simem_size_0:
called_computation.2_lowered:
.L_overlay_start_0:
0x88: {  	s2 =	sld [smem:$0x3FD9]  }
0x89: {  	s3 =	sld [smem:$0x3FFE];
	_ =	sdelay $0x1  }
0x8a: {  	s1 =	srdreg.scid  }
0x8b: {  	s0 =	sand.u32 $0x1, s1  }
0x8c: {  	s17 =	sshll.u32 s0, $0xA;
	s2 =	sadd.s32 s3, s2  }
0x8d: {  	s2 =	sadd.s32 s2, s17  }
0x8e: {  	[smem:$0x3FC6] =	sst s2  }
0x8f: {  	_ = 	snop  }
0x90: {  	s2 =	sld [smem:$0x3FD0];
	(tm) =	ssettm $0x1  }
0x91: {  	s18 =	sld [smem:$0x3FFB];
	_ =	sdelay $0x3  }
0x92: {  	_ =	strace s18  }
0x93: {  	s3 =	sld [smem:$0x3FFC];
	_ =	sdelay $0x3  }
0x94: {  	_ =	strace s3  }
0x95: {  	s3 =	sld [smem:$0x3FFD];
	_ =	sdelay $0x3  }
0x96: {  	_ =	strace s3  }
0x97: {  	_ =	strace $0x8FFFFFFF  }
0x98: {  	s19 =	sld [smem:$0x3FDB];
	_ =	sdelay $0x1  }
0x99: {  	s4 =	simm.s32 $_scs_section_size  }
0x9a: {  	s5 =	simm.s32 $_size__tile_overlayer_lowered;
	s6 =	simm.s32 $_tile_overlayer_lowered  }
0x9b: {  	s22 =	simm.s32 $0x1BFF;
	s21 =	sshll.u32 s6, $0x1;
	s3 =	sadd.s32 s4, s19  }
0x9c: {  	s7 =	simm.s32 $0x0;
	s20 =	sshll.u32 s5, $0x1;
	s5 =	sadd.s32 s21, s3  }
0x9d: {  	[timem:s7], [sflag:s22] =	dma.local [hbm:s5], s20  }
0x9e: {  	_ =	swait.ge [sflag:s22], s20  }
0x9f: {  	s4 =	ssub.s32 $0x0, s20;
	[sflag:s22] =	ssyncset.done $0x0  }
0xa0: {  	[sflag:s22] =	ssyncadd.s32 s4;
	_ =	sdelay $0x1  }
0xa1: {  	s23 =	simm.s32 $0x1B8B  }
0xa2: {  	_ =	swait.ge [sflag:s23], $0x1  }
0xa3: {  	[sflag:s23] =	ssyncset.done $0x0  }
0xa4: {  	s25 =	simm.s32 $0x1B8E;
	s24 =	sld [smem:$0x3FFE];
	[sflag:s23] =	ssyncadd.s32 $0xFFFFFFFF  }
0xa5: {  	s26 =	simm.s32 $execute0_lowered;
	[smem:$0x3FD2] =	sst s25  }
0xa6: {  	s5 =	sshll.u32 s26, $0x1;
	_ =	strace $0x80000050;
	[dreg:$0x1] =	wrdreg $0xFFFFFFFF  }
0xa7: {  	s28 =	simm.s32 $_size_execute0_lowered;
	s3 =	sadd.s32 s3, s5;
	[dreg:$0x0] =	wrdreg $0x0  }
0xa8: {  	s5 =	sshll.u32 s28, $0x1;
	[dreg:$0x2] =	wrdreg s3  }
0xa9: {  	[dreg:$0x3] =	wrdreg s5  }
0xaa: {  	[dreg:$0x4] =	wrdreg $0xC0  }
0xab: {  	_ =	task [dreg:s7], $0x5FFFF  }
0xac: {  	[dreg:$0x1] =	wrdreg $0xFFFFFFFF  }
0xad: {  	[dreg:$0x0] =	wrdreg $0x60  }
0xae: {  	[dreg:$0x2] =	wrdreg s2  }
0xaf: {  	[dreg:$0x3] =	wrdreg s24  }
0xb0: {  	[dreg:$0x4] =	wrdreg $0x9  }
0xb1: {  	_ =	task.clear_ibuf [dreg:s7], $0x5FFFF;
	_ =	strace $0x90000050  }
0xb2: {  	s29 =	simm.s32 $0x9;
	_ =	strace $0x80000059  }
0xb3: {  	_ =	swait.ge [sflag:s29], $0x1  }
0xb4: {  	[sflag:s29] =	ssyncadd.s32 $0xFFFFFFFF  }
0xb5: {  	_ =	strace $0x90000059  }
0xb6: {  	_ =	sfence  }
0xb7: {  	s30 =	sld [smem:$0x0];
	_ =	sdelay $0x2  }
0xb8: {  	s31 =	sshll.u32 s1, $0xD;
	s1 =	sshrl.u32 s1, $0x2  }
0xb9: {  	s3 =	sand.u32 $0x4000, s31;
	s1 =	sadd.s32 s1, s30  }
0xba: {  	s0 =	sor.u32 s3, s0;
	s1 =	sshll.u32 s1, $0x11  }
0xbb: {  	s0 =	sor.u32 s1, s0  }
0xbc: {  	s0 =	sadd.s32 $0x8F2B, s0  }
0xbd: {  	[sflag:s0] =	ssyncadd.remote.s32 $0x1  }
0xbe: {  	_ =	sfence.sel $0xFFFF  }
0xbf: {  	[dreg:$0x0] =	wrdreg $0xFFFFFFFF;
	(pc) =	sbr.abs _section_cstart, $3  }
0xc0: {  	[dreg:$0x1] =	wrdreg $0xFFFFFFFF  }
0xc1: {  	_ =	task.clear_ibuf [dreg:s7], $0x2FFFF;
	_ =	strace $0x9FFFFFFF  }
0xc2: {  	(tm) =	ssettm $0x7FFFFFFF  }
0xc3: {  	_ =	shalt  }
tec
execute0_lowered:
.L_overlay_start_1:
0x0: {  	(tag) =	ssettag $0x1  }
0x1: {  	s1 =	rddreg [dreg:$0x0]  }
0x2: {  	s4 =	rddreg [dreg:$0x1];
	s2 =	srdreg.scid  }
0x3: {  	s0 =	rddreg [dreg:$0x2];
	s5 =	sand.u32 $0x1, s2  }
0x4: {  	s3 =	simm.s32 $0x0;
	s2 =	stileid.u32;
	s6 =	sshll.u32 s5, $0x4  }
0x5: {  	[smem:$0x7FF] =	sst s3;
	s5 =	ssub.s32 $0x2, s5;
	s6 =	sor.u32 s2, s6  }
0x6: {  	s4 =	sadd.s32 $0xC00, s4;
	s7 =	sshrl.u32 s5, $0x1;
	s8 =	smul.u32 $0xD000, s6  }
0x7: {  	_ =	strace $0x80000051;
	s7 =	ssub.s32 s5, s7;
	s5 =	smul.u32 $0x68, s6  }
0x8: {  	s7 =	smax.u32 s7, $0x1;
	s6 =	sadd.s32 s1, s8;
	s8 =	simm.s32 $0x0  }
.LBB2_1:
0x9: {  	_ =	strace $0x80000052;
	s10 =	simm.s32 $0x0  }
0xa: {  	s9 =	simm.s32 $0x0;
	s11 =	simm.s32 $0x0;
	s12 =	simm.s32 $0x0  }
0xb: {  	[tilespmem:s3], [sflag:$0x1] =	stream.linear.gather [hbm4b:s6+s3], $0x1000, $0x200038;
	[tilespmem:$0x12000] =	vst v63  }
0xc: {  	s13 =	simm.s32 $0x1;
	s14 =	simm.s32 $0x0;
	_ =	strace $0x90000052  }
.LBB2_2:
0xd: {  	s16 =	smov.u32 s10;
	s10 =	sadd.s32 $0x1, s10  }
0xe: {  	p0 =	seq.s32 s10, $0x68  }
0xf: {  	s10 =	simm.s32 @p0 $0x0  }
0x10: {  	p6 =	sne.s32 s14, $0x67;
	p1 =	sne.s32 s16, s10  }
0x11: {  	p0 =	por !p6, !p1  }
0x12: {  	p0 =	por !p0, !p0  }
0x13: {  	s15 =	sadd.s32 @p0 s5, s10  }
0x14: {  	s28 =	sand.u32 $0x1, s12;
	_ =	strace @p0 $0x80000053;
	s15 =	sshll.u32 @p0 s15, $0x9  }
0x15: {  	s17 =	sand.u32 @p0 $0x1, s13;
	s19 =	simm.s32 @p0 $0x0;
	s15 =	sand.u32 @p0 $0x1FFFFE00, s15  }
0x16: {  	s18 =	sshll.u32 @p0 s17, $0xC;
	s17 =	sadd.s32 @p0 $0x1, s17;
	s15 =	sadd.s32 @p0 s1, s15  }
0x17: {  	[tilespmem:s18], [sflag:s17] =	stream.linear.gather @p0 [hbm4b:s15+s19], $0x1000, $0x200038;
	[tilespmem:$0x12000] =	vst v63  }
0x18: {  	s29 =	sshll.u32 s28, $0xC;
	_ =	strace @p0 $0x90000053  }
0x19: {  	s15 =	sadd.s32 $0x1, s28;
	s17 =	sor.u32 $0x1F0, s29;
	_ =	strace $0x80000054  }
0x1a: {  	v0 =	vmov s17;
	_ =	swait.ge [sflag:s15], $0x1000  }
0x1b: {  	[sflag:s15] =	ssyncset.done $0x0  }
0x1c: {  	[sflag:s15] =	ssyncadd.s32 $0xFFFFF000  }
0x1d: {  	_ =	strace $0x90000054  }
0x1e: {  	s30 =	simm.s32 $0x0;
	_ =	strace $0x80000055  }
0x1f: {  	v1 =	vld.idx.msk [tilespmem:v0+s30+$0xFFFFFE10 ss:$0x1], $0xffff;
	_ =	sdelay $0x1  }
0x20: {  	s15 =	sand.u32 $0x1, s11  }
0x21: {  	s31 =	sshll.u32 s15, $0xF  }
0x22: {  	s18 =	sor.u32 $0x2800, s31  }
0x23: {  	[tilespmem:s18+$0xFFFFF800] =	vst v1  }
0x24: {  	v1 =	vld.idx.msk [tilespmem:v0+s30+$0xFFFFFE20 ss:$0x1], $0xffff;
	_ =	sdelay $0x4  }
0x25: {  	[tilespmem:s18+$0xFFFFF880] =	vst v1  }
0x26: {  	v1 =	vld.idx.msk [tilespmem:v0+s30+$0xFFFFFE30 ss:$0x1], $0xffff;
	_ =	sdelay $0x4  }
0x27: {  	[tilespmem:s18+$0xFFFFF900] =	vst v1  }
0x28: {  	v1 =	vld.idx.msk [tilespmem:v0+s30+$0xFFFFFE40 ss:$0x1], $0xffff;
	_ =	sdelay $0x4  }
0x29: {  	[tilespmem:s18+$0xFFFFF980] =	vst v1  }
0x2a: {  	v1 =	vld.idx.msk [tilespmem:v0+s30+$0xFFFFFE50 ss:$0x1], $0xffff;
	_ =	sdelay $0x4  }
0x2b: {  	[tilespmem:s18+$0xFFFFFA00] =	vst v1  }
0x2c: {  	v1 =	vld.idx.msk [tilespmem:v0+s30+$0xFFFFFE60 ss:$0x1], $0xffff;
	_ =	sdelay $0x4  }
0x2d: {  	[tilespmem:s18+$0xFFFFFA80] =	vst v1  }
0x2e: {  	v1 =	vld.idx.msk [tilespmem:v0+s30+$0xFFFFFE70 ss:$0x1], $0xffff;
	_ =	sdelay $0x4  }
0x2f: {  	[tilespmem:s18+$0xFFFFFB00] =	vst v1  }
0x30: {  	v1 =	vld.idx.msk [tilespmem:v0+s30+$0xFFFFFE80 ss:$0x1], $0xffff;
	_ =	sdelay $0x4  }
0x31: {  	[tilespmem:s18+$0xFFFFFB80] =	vst v1  }
0x32: {  	v1 =	vld.idx.msk [tilespmem:v0+s30+$0xFFFFFE90 ss:$0x1], $0xffff;
	_ =	sdelay $0x4  }
0x33: {  	[tilespmem:s18+$0xFFFFFC00] =	vst v1  }
0x34: {  	v1 =	vld.idx.msk [tilespmem:v0+s30+$0xFFFFFEA0 ss:$0x1], $0xffff;
	_ =	sdelay $0x4  }
0x35: {  	[tilespmem:s18+$0xFFFFFC80] =	vst v1  }
0x36: {  	v1 =	vld.idx.msk [tilespmem:v0+s30+$0xFFFFFEB0 ss:$0x1], $0xffff;
	_ =	sdelay $0x4  }
0x37: {  	[tilespmem:s18+$0xFFFFFD00] =	vst v1  }
0x38: {  	v1 =	vld.idx.msk [tilespmem:v0+s30+$0xFFFFFEC0 ss:$0x1], $0xffff;
	_ =	sdelay $0x4  }
0x39: {  	[tilespmem:s18+$0xFFFFFD80] =	vst v1  }
0x3a: {  	v1 =	vld.idx.msk [tilespmem:v0+s30+$0xFFFFFED0 ss:$0x1], $0xffff;
	_ =	sdelay $0x4  }
0x3b: {  	[tilespmem:s18+$0xFFFFFE00] =	vst v1  }
0x3c: {  	v1 =	vld.idx.msk [tilespmem:v0+s30+$0xFFFFFEE0 ss:$0x1], $0xffff;
	_ =	sdelay $0x4  }
0x3d: {  	[tilespmem:s18+$0xFFFFFE80] =	vst v1  }
0x3e: {  	v1 =	vld.idx.msk [tilespmem:v0+s30+$0xFFFFFEF0 ss:$0x1], $0xffff;
	_ =	sdelay $0x4  }
0x3f: {  	[tilespmem:s18+$0xFFFFFF00] =	vst v1  }
0x40: {  	v1 =	vld.idx.msk [tilespmem:v0+s30+$0xFFFFFF00 ss:$0x1], $0xffff;
	_ =	sdelay $0x4  }
0x41: {  	[tilespmem:s18+$0xFFFFFF80] =	vst v1  }
0x42: {  	v1 =	vld.idx.msk [tilespmem:v0+s30+$0xFFFFFF10 ss:$0x1], $0xffff;
	_ =	sdelay $0x4  }
0x43: {  	[tilespmem:s18+$0x0] =	vst v1  }
0x44: {  	v1 =	vld.idx.msk [tilespmem:v0+s30+$0xFFFFFF20 ss:$0x1], $0xffff;
	_ =	sdelay $0x4  }
0x45: {  	[tilespmem:s18+$0x80] =	vst v1  }
0x46: {  	v1 =	vld.idx.msk [tilespmem:v0+s30+$0xFFFFFF30 ss:$0x1], $0xffff;
	_ =	sdelay $0x4  }
0x47: {  	[tilespmem:s18+$0x100] =	vst v1  }
0x48: {  	v1 =	vld.idx.msk [tilespmem:v0+s30+$0xFFFFFF40 ss:$0x1], $0xffff;
	_ =	sdelay $0x4  }
0x49: {  	[tilespmem:s18+$0x180] =	vst v1  }
0x4a: {  	v1 =	vld.idx.msk [tilespmem:v0+s30+$0xFFFFFF50 ss:$0x1], $0xffff;
	_ =	sdelay $0x4  }
0x4b: {  	[tilespmem:s18+$0x200] =	vst v1  }
0x4c: {  	v1 =	vld.idx.msk [tilespmem:v0+s30+$0xFFFFFF60 ss:$0x1], $0xffff;
	_ =	sdelay $0x4  }
0x4d: {  	[tilespmem:s18+$0x280] =	vst v1  }
0x4e: {  	v1 =	vld.idx.msk [tilespmem:v0+s30+$0xFFFFFF70 ss:$0x1], $0xffff;
	_ =	sdelay $0x4  }
0x4f: {  	[tilespmem:s18+$0x300] =	vst v1  }
0x50: {  	v1 =	vld.idx.msk [tilespmem:v0+s30+$0xFFFFFF80 ss:$0x1], $0xffff;
	_ =	sdelay $0x4  }
0x51: {  	[tilespmem:s18+$0x380] =	vst v1  }
0x52: {  	v1 =	vld.idx.msk [tilespmem:v0+s30+$0xFFFFFF90 ss:$0x1], $0xffff;
	_ =	sdelay $0x4  }
0x53: {  	[tilespmem:s18+$0x400] =	vst v1  }
0x54: {  	v1 =	vld.idx.msk [tilespmem:v0+s30+$0xFFFFFFA0 ss:$0x1], $0xffff;
	_ =	sdelay $0x4  }
0x55: {  	[tilespmem:s18+$0x480] =	vst v1  }
0x56: {  	v1 =	vld.idx.msk [tilespmem:v0+s30+$0xFFFFFFB0 ss:$0x1], $0xffff;
	_ =	sdelay $0x4  }
0x57: {  	[tilespmem:s18+$0x500] =	vst v1  }
0x58: {  	v1 =	vld.idx.msk [tilespmem:v0+s30+$0xFFFFFFC0 ss:$0x1], $0xffff;
	_ =	sdelay $0x4  }
0x59: {  	[tilespmem:s18+$0x580] =	vst v1  }
0x5a: {  	v1 =	vld.idx.msk [tilespmem:v0+s30+$0xFFFFFFD0 ss:$0x1], $0xffff;
	_ =	sdelay $0x4  }
0x5b: {  	[tilespmem:s18+$0x600] =	vst v1  }
0x5c: {  	v1 =	vld.idx.msk [tilespmem:v0+s30+$0xFFFFFFE0 ss:$0x1], $0xffff;
	_ =	sdelay $0x4  }
0x5d: {  	[tilespmem:s18+$0x680] =	vst v1  }
0x5e: {  	v1 =	vld.idx.msk [tilespmem:v0+s30+$0xFFFFFFF0 ss:$0x1], $0xffff;
	_ =	sdelay $0x4  }
0x5f: {  	[tilespmem:s18+$0x700] =	vst v1  }
0x60: {  	v1 =	vld.idx.msk [tilespmem:v0+s30+$0x0 ss:$0x1], $0xffff;
	_ =	sdelay $0x3  }
0x61: {  	s20 =	simm.s32 $0x1000  }
0x62: {  	s19 =	simm.s32 $0x200;
	s17 =	sadd.s32 s5, s16;
	s16 =	sor.u32 $0x2000, s31;
	[tilespmem:s18+$0x780] =	vst v1  }
.LBB2_3:
0x63: {  	p2 =	sne.s32 s20, $0x3800;
	v1 =	vld.idx.msk [tilespmem:v0+s19+$0xFFFFFE10 ss:$0x1], $0xffff;
	_ =	sdelay $0x4  }
0x64: {  	s18 =	sadd.s32 $0x1000, s18  }
0x65: {  	[tilespmem:s18+$0xFFFFF800] =	vst v1  }
0x66: {  	v1 =	vld.idx.msk [tilespmem:v0+s19+$0xFFFFFE20 ss:$0x1], $0xffff;
	_ =	sdelay $0x5  }
0x67: {  	[tilespmem:s18+$0xFFFFF880] =	vst v1  }
0x68: {  	v1 =	vld.idx.msk [tilespmem:v0+s19+$0xFFFFFE30 ss:$0x1], $0xffff;
	_ =	sdelay $0x5  }
0x69: {  	[tilespmem:s18+$0xFFFFF900] =	vst v1  }
0x6a: {  	v1 =	vld.idx.msk [tilespmem:v0+s19+$0xFFFFFE40 ss:$0x1], $0xffff;
	_ =	sdelay $0x5  }
0x6b: {  	[tilespmem:s18+$0xFFFFF980] =	vst v1  }
0x6c: {  	v1 =	vld.idx.msk [tilespmem:v0+s19+$0xFFFFFE50 ss:$0x1], $0xffff;
	_ =	sdelay $0x5  }
0x6d: {  	[tilespmem:s18+$0xFFFFFA00] =	vst v1  }
0x6e: {  	v1 =	vld.idx.msk [tilespmem:v0+s19+$0xFFFFFE60 ss:$0x1], $0xffff;
	_ =	sdelay $0x5  }
0x6f: {  	[tilespmem:s18+$0xFFFFFA80] =	vst v1  }
0x70: {  	v1 =	vld.idx.msk [tilespmem:v0+s19+$0xFFFFFE70 ss:$0x1], $0xffff;
	_ =	sdelay $0x5  }
0x71: {  	[tilespmem:s18+$0xFFFFFB00] =	vst v1  }
0x72: {  	v1 =	vld.idx.msk [tilespmem:v0+s19+$0xFFFFFE80 ss:$0x1], $0xffff;
	_ =	sdelay $0x5  }
0x73: {  	[tilespmem:s18+$0xFFFFFB80] =	vst v1  }
0x74: {  	v1 =	vld.idx.msk [tilespmem:v0+s19+$0xFFFFFE90 ss:$0x1], $0xffff;
	_ =	sdelay $0x5  }
0x75: {  	[tilespmem:s18+$0xFFFFFC00] =	vst v1  }
0x76: {  	v1 =	vld.idx.msk [tilespmem:v0+s19+$0xFFFFFEA0 ss:$0x1], $0xffff;
	_ =	sdelay $0x5  }
0x77: {  	[tilespmem:s18+$0xFFFFFC80] =	vst v1  }
0x78: {  	v1 =	vld.idx.msk [tilespmem:v0+s19+$0xFFFFFEB0 ss:$0x1], $0xffff;
	_ =	sdelay $0x5  }
0x79: {  	[tilespmem:s18+$0xFFFFFD00] =	vst v1  }
0x7a: {  	v1 =	vld.idx.msk [tilespmem:v0+s19+$0xFFFFFEC0 ss:$0x1], $0xffff;
	_ =	sdelay $0x5  }
0x7b: {  	[tilespmem:s18+$0xFFFFFD80] =	vst v1  }
0x7c: {  	v1 =	vld.idx.msk [tilespmem:v0+s19+$0xFFFFFED0 ss:$0x1], $0xffff;
	_ =	sdelay $0x5  }
0x7d: {  	[tilespmem:s18+$0xFFFFFE00] =	vst v1  }
0x7e: {  	v1 =	vld.idx.msk [tilespmem:v0+s19+$0xFFFFFEE0 ss:$0x1], $0xffff;
	_ =	sdelay $0x5  }
0x7f: {  	[tilespmem:s18+$0xFFFFFE80] =	vst v1  }
0x80: {  	v1 =	vld.idx.msk [tilespmem:v0+s19+$0xFFFFFEF0 ss:$0x1], $0xffff;
	_ =	sdelay $0x5  }
0x81: {  	[tilespmem:s18+$0xFFFFFF00] =	vst v1  }
0x82: {  	v1 =	vld.idx.msk [tilespmem:v0+s19+$0xFFFFFF00 ss:$0x1], $0xffff;
	_ =	sdelay $0x5  }
0x83: {  	[tilespmem:s18+$0xFFFFFF80] =	vst v1  }
0x84: {  	v1 =	vld.idx.msk [tilespmem:v0+s19+$0xFFFFFF10 ss:$0x1], $0xffff;
	_ =	sdelay $0x5  }
0x85: {  	[tilespmem:s18+$0x0] =	vst v1  }
0x86: {  	v1 =	vld.idx.msk [tilespmem:v0+s19+$0xFFFFFF20 ss:$0x1], $0xffff;
	_ =	sdelay $0x5  }
0x87: {  	[tilespmem:s18+$0x80] =	vst v1  }
0x88: {  	v1 =	vld.idx.msk [tilespmem:v0+s19+$0xFFFFFF30 ss:$0x1], $0xffff;
	_ =	sdelay $0x5  }
0x89: {  	[tilespmem:s18+$0x100] =	vst v1  }
0x8a: {  	v1 =	vld.idx.msk [tilespmem:v0+s19+$0xFFFFFF40 ss:$0x1], $0xffff;
	_ =	sdelay $0x5  }
0x8b: {  	[tilespmem:s18+$0x180] =	vst v1  }
0x8c: {  	v1 =	vld.idx.msk [tilespmem:v0+s19+$0xFFFFFF50 ss:$0x1], $0xffff;
	_ =	sdelay $0x5  }
0x8d: {  	[tilespmem:s18+$0x200] =	vst v1  }
0x8e: {  	v1 =	vld.idx.msk [tilespmem:v0+s19+$0xFFFFFF60 ss:$0x1], $0xffff;
	_ =	sdelay $0x5  }
0x8f: {  	[tilespmem:s18+$0x280] =	vst v1  }
0x90: {  	v1 =	vld.idx.msk [tilespmem:v0+s19+$0xFFFFFF70 ss:$0x1], $0xffff;
	_ =	sdelay $0x5  }
0x91: {  	[tilespmem:s18+$0x300] =	vst v1  }
0x92: {  	v1 =	vld.idx.msk [tilespmem:v0+s19+$0xFFFFFF80 ss:$0x1], $0xffff;
	_ =	sdelay $0x5  }
0x93: {  	[tilespmem:s18+$0x380] =	vst v1  }
0x94: {  	v1 =	vld.idx.msk [tilespmem:v0+s19+$0xFFFFFF90 ss:$0x1], $0xffff;
	_ =	sdelay $0x5  }
0x95: {  	[tilespmem:s18+$0x400] =	vst v1  }
0x96: {  	v1 =	vld.idx.msk [tilespmem:v0+s19+$0xFFFFFFA0 ss:$0x1], $0xffff;
	_ =	sdelay $0x5  }
0x97: {  	[tilespmem:s18+$0x480] =	vst v1  }
0x98: {  	v1 =	vld.idx.msk [tilespmem:v0+s19+$0xFFFFFFB0 ss:$0x1], $0xffff;
	_ =	sdelay $0x5  }
0x99: {  	[tilespmem:s18+$0x500] =	vst v1  }
0x9a: {  	v1 =	vld.idx.msk [tilespmem:v0+s19+$0xFFFFFFC0 ss:$0x1], $0xffff;
	_ =	sdelay $0x5  }
0x9b: {  	[tilespmem:s18+$0x580] =	vst v1  }
0x9c: {  	v1 =	vld.idx.msk [tilespmem:v0+s19+$0xFFFFFFD0 ss:$0x1], $0xffff;
	_ =	sdelay $0x5  }
0x9d: {  	[tilespmem:s18+$0x600] =	vst v1  }
0x9e: {  	v1 =	vld.idx.msk [tilespmem:v0+s19+$0xFFFFFFE0 ss:$0x1], $0xffff;
	_ =	sdelay $0x5  }
0x9f: {  	[tilespmem:s18+$0x680] =	vst v1  }
0xa0: {  	v1 =	vld.idx.msk [tilespmem:v0+s19+$0xFFFFFFF0 ss:$0x1], $0xffff;
	_ =	sdelay $0x5  }
0xa1: {  	[tilespmem:s18+$0x700] =	vst v1  }
0xa2: {  	v1 =	vld.idx.msk [tilespmem:v0+s19+$0x0 ss:$0x1], $0xffff;
	_ =	sdelay $0x1  }
.Ltmp0:
0xa3: {  	(pc) =	sbr.rel @p2 .LBB2_3-.Ltmp0, $2  }
0xa4: {  	_ =	sdelay $0x2  }
0xa5: {  	s19 =	sshra.s32 s20, $0x2;
	s20 =	sadd.s32 $0x800, s20;
	[tilespmem:s18+$0x780] =	vst v1  }
0xa6: {  	_ =	sdelay $0x3  }
0xa7: {  	v1 =	vld.idx.msk [tilespmem:v0+s19+$0xFFFFFE10 ss:$0x1], $0xffff;
	_ =	sdelay $0x3  }
0xa8: {  	s18 =	sadd.s32 $0x1000, s18  }
0xa9: {  	[tilespmem:s18+$0xFFFFF800] =	vst v1  }
0xaa: {  	v1 =	vld.idx.msk [tilespmem:v0+s19+$0xFFFFFE20 ss:$0x1], $0xffff;
	_ =	sdelay $0x4  }
0xab: {  	[tilespmem:s18+$0xFFFFF880] =	vst v1  }
0xac: {  	v1 =	vld.idx.msk [tilespmem:v0+s19+$0xFFFFFE30 ss:$0x1], $0xffff;
	_ =	sdelay $0x4  }
0xad: {  	[tilespmem:s18+$0xFFFFF900] =	vst v1  }
0xae: {  	v1 =	vld.idx.msk [tilespmem:v0+s19+$0xFFFFFE40 ss:$0x1], $0xffff;
	_ =	sdelay $0x4  }
0xaf: {  	[tilespmem:s18+$0xFFFFF980] =	vst v1  }
0xb0: {  	v1 =	vld.idx.msk [tilespmem:v0+s19+$0xFFFFFE50 ss:$0x1], $0xffff;
	_ =	sdelay $0x4  }
0xb1: {  	[tilespmem:s18+$0xFFFFFA00] =	vst v1  }
0xb2: {  	v1 =	vld.idx.msk [tilespmem:v0+s19+$0xFFFFFE60 ss:$0x1], $0xffff;
	_ =	sdelay $0x4  }
0xb3: {  	[tilespmem:s18+$0xFFFFFA80] =	vst v1  }
0xb4: {  	v1 =	vld.idx.msk [tilespmem:v0+s19+$0xFFFFFE70 ss:$0x1], $0xffff;
	_ =	sdelay $0x4  }
0xb5: {  	[tilespmem:s18+$0xFFFFFB00] =	vst v1  }
0xb6: {  	v1 =	vld.idx.msk [tilespmem:v0+s19+$0xFFFFFE80 ss:$0x1], $0xffff;
	_ =	sdelay $0x4  }
0xb7: {  	[tilespmem:s18+$0xFFFFFB80] =	vst v1  }
0xb8: {  	v1 =	vld.idx.msk [tilespmem:v0+s19+$0xFFFFFE90 ss:$0x1], $0xffff;
	_ =	sdelay $0x4  }
0xb9: {  	[tilespmem:s18+$0xFFFFFC00] =	vst v1  }
0xba: {  	v1 =	vld.idx.msk [tilespmem:v0+s19+$0xFFFFFEA0 ss:$0x1], $0xffff;
	_ =	sdelay $0x4  }
0xbb: {  	[tilespmem:s18+$0xFFFFFC80] =	vst v1  }
0xbc: {  	v1 =	vld.idx.msk [tilespmem:v0+s19+$0xFFFFFEB0 ss:$0x1], $0xffff;
	_ =	sdelay $0x4  }
0xbd: {  	[tilespmem:s18+$0xFFFFFD00] =	vst v1  }
0xbe: {  	v1 =	vld.idx.msk [tilespmem:v0+s19+$0xFFFFFEC0 ss:$0x1], $0xffff;
	_ =	sdelay $0x4  }
0xbf: {  	[tilespmem:s18+$0xFFFFFD80] =	vst v1  }
0xc0: {  	v1 =	vld.idx.msk [tilespmem:v0+s19+$0xFFFFFED0 ss:$0x1], $0xffff;
	_ =	sdelay $0x4  }
0xc1: {  	[tilespmem:s18+$0xFFFFFE00] =	vst v1  }
0xc2: {  	v1 =	vld.idx.msk [tilespmem:v0+s19+$0xFFFFFEE0 ss:$0x1], $0xffff;
	_ =	sdelay $0x4  }
0xc3: {  	[tilespmem:s18+$0xFFFFFE80] =	vst v1  }
0xc4: {  	v1 =	vld.idx.msk [tilespmem:v0+s19+$0xFFFFFEF0 ss:$0x1], $0xffff;
	_ =	sdelay $0x4  }
0xc5: {  	[tilespmem:s18+$0xFFFFFF00] =	vst v1  }
0xc6: {  	v1 =	vld.idx.msk [tilespmem:v0+s19+$0xFFFFFF00 ss:$0x1], $0xffff;
	_ =	sdelay $0x4  }
0xc7: {  	[tilespmem:s18+$0xFFFFFF80] =	vst v1  }
0xc8: {  	v1 =	vld.idx.msk [tilespmem:v0+s19+$0xFFFFFF10 ss:$0x1], $0xffff;
	_ =	sdelay $0x4  }
0xc9: {  	[tilespmem:s18+$0x0] =	vst v1  }
0xca: {  	v1 =	vld.idx.msk [tilespmem:v0+s19+$0xFFFFFF20 ss:$0x1], $0xffff;
	_ =	sdelay $0x4  }
0xcb: {  	[tilespmem:s18+$0x80] =	vst v1  }
0xcc: {  	v1 =	vld.idx.msk [tilespmem:v0+s19+$0xFFFFFF30 ss:$0x1], $0xffff;
	_ =	sdelay $0x4  }
0xcd: {  	[tilespmem:s18+$0x100] =	vst v1  }
0xce: {  	v1 =	vld.idx.msk [tilespmem:v0+s19+$0xFFFFFF40 ss:$0x1], $0xffff;
	_ =	sdelay $0x4  }
0xcf: {  	[tilespmem:s18+$0x180] =	vst v1  }
0xd0: {  	v1 =	vld.idx.msk [tilespmem:v0+s19+$0xFFFFFF50 ss:$0x1], $0xffff;
	_ =	sdelay $0x4  }
0xd1: {  	[tilespmem:s18+$0x200] =	vst v1  }
0xd2: {  	v1 =	vld.idx.msk [tilespmem:v0+s19+$0xFFFFFF60 ss:$0x1], $0xffff;
	_ =	sdelay $0x4  }
0xd3: {  	[tilespmem:s18+$0x280] =	vst v1  }
0xd4: {  	v1 =	vld.idx.msk [tilespmem:v0+s19+$0xFFFFFF70 ss:$0x1], $0xffff;
	_ =	sdelay $0x4  }
0xd5: {  	[tilespmem:s18+$0x300] =	vst v1  }
0xd6: {  	v1 =	vld.idx.msk [tilespmem:v0+s19+$0xFFFFFF80 ss:$0x1], $0xffff;
	_ =	sdelay $0x4  }
0xd7: {  	[tilespmem:s18+$0x380] =	vst v1  }
0xd8: {  	v1 =	vld.idx.msk [tilespmem:v0+s19+$0xFFFFFF90 ss:$0x1], $0xffff;
	_ =	sdelay $0x4  }
0xd9: {  	[tilespmem:s18+$0x400] =	vst v1  }
0xda: {  	v1 =	vld.idx.msk [tilespmem:v0+s19+$0xFFFFFFA0 ss:$0x1], $0xffff;
	_ =	sdelay $0x4  }
0xdb: {  	[tilespmem:s18+$0x480] =	vst v1  }
0xdc: {  	v1 =	vld.idx.msk [tilespmem:v0+s19+$0xFFFFFFB0 ss:$0x1], $0xffff;
	_ =	sdelay $0x4  }
0xdd: {  	[tilespmem:s18+$0x500] =	vst v1  }
0xde: {  	v1 =	vld.idx.msk [tilespmem:v0+s19+$0xFFFFFFC0 ss:$0x1], $0xffff;
	_ =	sdelay $0x4  }
0xdf: {  	[tilespmem:s18+$0x580] =	vst v1  }
0xe0: {  	v1 =	vld.idx.msk [tilespmem:v0+s19+$0xFFFFFFD0 ss:$0x1], $0xffff;
	_ =	sdelay $0x4  }
0xe1: {  	[tilespmem:s18+$0x600] =	vst v1  }
0xe2: {  	v1 =	vld.idx.msk [tilespmem:v0+s19+$0xFFFFFFE0 ss:$0x1], $0xffff;
	_ =	sdelay $0x4  }
0xe3: {  	[tilespmem:s18+$0x680] =	vst v1  }
0xe4: {  	v1 =	vld.idx.msk [tilespmem:v0+s19+$0xFFFFFFF0 ss:$0x1], $0xffff;
	_ =	sdelay $0x4  }
0xe5: {  	[tilespmem:s18+$0x700] =	vst v1  }
0xe6: {  	v63 =	vld.idx.msk [tilespmem:v0+s19+$0x0 ss:$0x1], $0xffff  }
0xe7: {  	p2 =	seq.s32 s14, $0x67  }
0xe8: {  	p1 =	por p2, p1  }
0xe9: {  	s17 =	sshll.u32 @p1 s17, $0xC  }
0xea: {  	s17 =	sand.u32 @p1 $0x1FFFF000, s17  }
0xeb: {  	s15 =	sadd.s32 @p1 $0x3, s15;
	s17 =	sadd.s32 @p1 s4, s17;
	[tilespmem:s18+$0x780] =	vst v63  }
0xec: {  	s19 =	simm.s32 @p1 $0x0;
	s18 =	simm.s32 $0x1;
	_ =	strace $0x90000055  }
0xed: {  	s18 =	simm.s32 @!p0 $0x0;
	p0 =	seq.s32 s14, $0x0;
	_ =	strace @p1 $0x80000056  }
0xee: {  	[hbm4b:s17+s19] =	stream.linear.scatter @p1 [tilespmem:s16], [sflag:s15], $0x8000, $0x200038;
	[tilespmem:$0x12000] =	vst v63  }
0xef: {  	s15 =	simm.s32 $0x1;
	s17 =	simm.s32 $0x1;
	_ =	strace @p1 $0x90000056  }
0xf0: {  	s15 =	simm.s32 @!p1 $0x0;
	p1 =	sne.s32 s14, $0x0;
	s14 =	sadd.s32 $0x1, s14  }
0xf1: {  	s16 =	sand.u32 @!p0 $0x1, s9;
	s17 =	simm.s32 @!p1 $0x0;
	p1 =	sne.s32 s14, $0x68  }
.Ltmp1:
0xf2: {  	s16 =	sadd.s32 @!p0 $0x3, s16;
	_ =	strace @!p0 $0x80000057;
	(pc) =	sbr.rel @p1 .LBB2_2-.Ltmp1, $4  }
0xf3: {  	_ =	swait.ge @!p0 [sflag:s16], $0x8000  }
0xf4: {  	[sflag:s16] =	ssyncset.done @!p0 $0x0  }
0xf5: {  	s13 =	sadd.s32 s18, s13;
	s11 =	sadd.s32 s15, s11;
	[sflag:s16] =	ssyncadd.s32 @!p0 $0xFFFF8000  }
0xf6: {  	s12 =	sadd.s32 s15, s12;
	s9 =	sadd.s32 s17, s9;
	_ =	strace @!p0 $0x90000057  }
0xf7: {  	s8 =	sadd.s32 $0x1, s8  }
0xf8: {  	s9 =	sand.u32 $0x1, s9;
	p0 =	sne.s32 s8, s7  }
.Ltmp2:
0xf9: {  	_ =	strace $0x80000058;
	s9 =	sadd.s32 $0x3, s9;
	(pc) =	sbr.rel @p0 .LBB2_1-.Ltmp2, $4  }
0xfa: {  	_ =	swait.ge [sflag:s9], $0x8000  }
0xfb: {  	[sflag:s9] =	ssyncset.done $0x0  }
0xfc: {  	[sflag:s9] =	ssyncadd.s32 $0xFFFF8000  }
0xfd: {  	_ =	strace $0x90000058  }
0xfe: {  	_ =	sfence.sel $0x180000  }
0xff: {  	[bflag:$0x0] =	sbarrier.arrive $0xFFFF  }
0x100: {  	p0 =	sne.s32 s2, $0x0;
	_ =	strace $0x90000051  }
0x101: {  	s0 =	sadd.s32 @!p0 $0x100000, s0;
	[bflag:$0x2] =	sbarrier.arrive $0xFFFF  }
0x102: {  	[sflag:s0] =	ssyncadd.tile.s32 @!p0 $0x1;
	_ =	shalt  }
.Lfunc_end2:
_tile_overlayer_lowered:
.L_overlay_start_2:
0x103: {  	(tag) =	ssettag $0x2  }
0x104: {  	s0 =	rddreg [dreg:$0x0];
	s2 =	stileid.u32  }
0x105: {  	s1 =	rddreg [dreg:$0x1];
	p0 =	sne.s32 s2, $0x0  }
0x106: {  	s3 =	rddreg [dreg:$0x2];
	[bflag:$0x3] =	sbarrier.arrive $0xFFFF;
	s2 =	simm.s32 @!p0 $0x1C01  }
0x107: {  	[timem:s3], [sflag:s2] =	dma.local @!p0 [hbm:s0], s1  }
0x108: {  	s0 =	simm.s32 @!p0 $0x1  }
0x109: {  	_ =	swait.ge @!p0 [sflag:s0], s1  }
0x10a: {  	s1 =	ssub.s32 @!p0 $0x0, s1;
	[sflag:s0] =	ssyncset.done @!p0 $0x0  }
0x10b: {  	[sflag:s0] =	ssyncadd.s32 @!p0 s1  }
0x10c: {  	[bflag:$0x3] =	sbarrier.arrive $0xFFFF  }
0x10d: {  	_ =	shalt  }

// kernel: sparse-core-data-format-call.cloned.1.call-start
scs
called_computation_lowered:
.L_overlay_start_0:
0x0: {  	s2 =	sld [smem:$0x3FD9]  }
0x1: {  	s3 =	sld [smem:$0x3FFE];
	_ =	sdelay $0x1  }
0x2: {  	s1 =	srdreg.scid  }
0x3: {  	s0 =	sand.u32 $0x1, s1  }
0x4: {  	s18 =	sshll.u32 s0, $0xA;
	s2 =	sadd.s32 s3, s2  }
0x5: {  	s2 =	sadd.s32 s2, s18  }
0x6: {  	[smem:$0x3FC6] =	sst s2  }
0x7: {  	_ = 	snop  }
0x8: {  	s2 =	sld [smem:$0x3FD0];
	(tm) =	ssettm $0x1  }
0x9: {  	s19 =	sld [smem:$0x3FFB];
	_ =	sdelay $0x3  }
0xa: {  	_ =	strace s19  }
0xb: {  	s3 =	sld [smem:$0x3FFC];
	_ =	sdelay $0x3  }
0xc: {  	_ =	strace s3  }
0xd: {  	s3 =	sld [smem:$0x3FFD];
	_ =	sdelay $0x3  }
0xe: {  	_ =	strace s3  }
0xf: {  	_ =	strace $0x8FFFFFFF  }
0x10: {  	s20 =	sld [smem:$0x3FDB];
	_ =	sdelay $0x1  }
0x11: {  	s4 =	simm.s32 $_scs_section_size  }
0x12: {  	s5 =	simm.s32 $_size__tile_overlayer_lowered;
	s6 =	simm.s32 $_tile_overlayer_lowered  }
0x13: {  	s23 =	simm.s32 $0x1BFF;
	s22 =	sshll.u32 s6, $0x1;
	s3 =	sadd.s32 s4, s20  }
0x14: {  	s7 =	simm.s32 $0x0;
	s21 =	sshll.u32 s5, $0x1;
	s5 =	sadd.s32 s22, s3  }
0x15: {  	[timem:s7], [sflag:s23] =	dma.local [hbm:s5], s21  }
0x16: {  	_ =	swait.ge [sflag:s23], s21  }
0x17: {  	s4 =	ssub.s32 $0x0, s21;
	[sflag:s23] =	ssyncset.done $0x0  }
0x18: {  	[sflag:s23] =	ssyncadd.s32 s4;
	_ =	sdelay $0x1  }
0x19: {  	s24 =	simm.s32 $0x1B8B  }
0x1a: {  	_ =	swait.ge [sflag:s24], $0x1  }
0x1b: {  	[sflag:s24] =	ssyncset.done $0x0  }
0x1c: {  	s26 =	simm.s32 $0x1B8E;
	s25 =	sld [smem:$0x3FFE];
	[sflag:s24] =	ssyncadd.s32 $0xFFFFFFFF  }
0x1d: {  	s27 =	simm.s32 $execute0_lowered;
	[smem:$0x3FD2] =	sst s26  }
0x1e: {  	s5 =	sshll.u32 s27, $0x1;
	_ =	strace $0x8000005A;
	[dreg:$0x1] =	wrdreg $0xFFFFFFFF  }
0x1f: {  	s28 =	simm.s32 $_size_execute0_lowered;
	s3 =	sadd.s32 s3, s5;
	[dreg:$0x0] =	wrdreg $0x0  }
0x20: {  	s5 =	sshll.u32 s28, $0x1;
	[dreg:$0x2] =	wrdreg s3  }
0x21: {  	[dreg:$0x3] =	wrdreg s5  }
0x22: {  	[dreg:$0x4] =	wrdreg $0xC0  }
0x23: {  	_ =	task [dreg:s7], $0x5FFFF  }
0x24: {  	[dreg:$0x1] =	wrdreg $0xFFFFFFFF  }
0x25: {  	[dreg:$0x0] =	wrdreg $0x60  }
0x26: {  	[dreg:$0x2] =	wrdreg s25  }
0x27: {  	[dreg:$0x3] =	wrdreg s2  }
0x28: {  	[dreg:$0x4] =	wrdreg $0x9  }
0x29: {  	_ =	task.clear_ibuf [dreg:s7], $0x5FFFF;
	_ =	strace $0x9000005A  }
0x2a: {  	s29 =	simm.s32 $0x9;
	_ =	strace $0x8000005C  }
0x2b: {  	_ =	swait.ge [sflag:s29], $0x1  }
0x2c: {  	[sflag:s29] =	ssyncadd.s32 $0xFFFFFFFF  }
0x2d: {  	_ =	strace $0x9000005C  }
0x2e: {  	_ =	sfence  }
0x2f: {  	s30 =	sld [smem:$0x0];
	_ =	sdelay $0x2  }
0x30: {  	s31 =	sshll.u32 s1, $0xD;
	s1 =	sshrl.u32 s1, $0x2  }
0x31: {  	s3 =	sand.u32 $0x4000, s31;
	s1 =	sadd.s32 s1, s30  }
0x32: {  	s0 =	sor.u32 s3, s0;
	s1 =	sshll.u32 s1, $0x11  }
0x33: {  	s0 =	sor.u32 s1, s0  }
0x34: {  	s0 =	sadd.s32 $0x8F2B, s0  }
0x35: {  	[sflag:s0] =	ssyncadd.remote.s32 $0x1  }
0x36: {  	_ =	sfence.sel $0xFFFF  }
0x37: {  	[dreg:$0x0] =	wrdreg $0xFFFFFFFF;
	(pc) =	sbr.abs _section_cstart, $3  }
0x38: {  	[dreg:$0x1] =	wrdreg $0xFFFFFFFF  }
0x39: {  	_ =	task.clear_ibuf [dreg:s7], $0x2FFFF;
	_ =	strace $0x9FFFFFFF  }
0x3a: {  	(tm) =	ssettm $0x7FFFFFFF  }
0x3b: {  	_ =	shalt  }
tec
execute0_lowered:
.L_overlay_start_1:
0x0: {  	(tag) =	ssettag $0x1  }
0x1: {  	s0 =	srdreg.scid  }
0x2: {  	s1 =	sshll.u32 s0, $0x4  }
0x3: {  	s6 =	rddreg [dreg:$0x0];
	s0 =	stileid.u32;
	s1 =	sand.u32 $0x10, s1  }
0x4: {  	s3 =	rddreg [dreg:$0x1];
	s1 =	sor.u32 s0, s1  }
0x5: {  	s5 =	simm.s32 $0x1;
	s31 =	simm.s32 $0x2;
	s2 =	sshll.u32 s1, $0x7  }
0x6: {  	s13 =	simm.s32 $0x0;
	s8 =	simm.s32 $0x8000;
	s4 =	ssub.s32 $0x1000, s2  }
0x7: {  	s15 =	simm.s32 $0x0;
	s14 =	simm.s32 $0x0;
	s30 =	sand.u32 $0xF80, s4  }
0x8: {  	s9 =	simm.s32 $0x0;
	s10 =	simm.s32 $0x0;
	p0 =	sne.s32 s30, $0x0  }
.Ltmp0:
0x9: {  	s7 =	sshrl.u32 s4, $0xC;
	s5 =	simm.s32 @!p0 $0x0;
	(pc) =	sbr.rel .LBB1_1-.Ltmp0, $4  }
0xa: {  	s12 =	simm.s32 $0x0;
	s1 =	rddreg [dreg:$0x2];
	s5 =	sadd.s32 s5, s7  }
0xb: {  	_ =	strace $0x8000005B;
	s4 =	simm.s32 $0x1;
	s5 =	smul.u32 $0xD0, s5  }
0xc: {  	s6 =	sadd.s32 $0xC00, s6;
	s11 =	smov.u32 s2;
	[sflag:s4] =	ssyncpa.u1 $0x0  }
0xd: {  	[sflag:s31] =	ssyncpa.u1 $0x0;
	p0 =	por $0x0, $0x0;
	s7 =	sor.u32 $0x1, s5  }
.LBB1_4:
0xe: {  	s18 =	sshll.u32 s14, $0x3  }
0xf: {  	s19 =	sand.u32 $0x78, s14;
	s20 =	sand.u32 $0x1E00, s14;
	s15 =	sshll.u32 s15, $0x10  }
0x10: {  	s13 =	sshll.u32 s13, $0xD;
	s18 =	sand.u32 $0xC00, s18;
	s30 =	sadd.s32 s3, s20  }
0x11: {  	s31 =	sand.u32 $0x7, s14;
	s18 =	sor.u32 s19, s18;
	s15 =	sadd.s32 s15, s30  }
0x12: {  	s14 =	sshll.u32 s31, $0x12;
	s18 =	sshrl.u32 s18, $0x3;
	s13 =	sadd.s32 s13, s15  }
0x13: {  	[tilespmem:s17+$0x0 ss:$0x81] =	vst.msk $0xffff, v0;
	s14 =	sor.u32 $0x400, s14;
	s13 =	sadd.s32 s18, s13  }
0x14: {  	[hbm4b:s13+s14] =	stream.strided.scatter [tilespmem:s16], [sflag:$0x2], $0x800, s8, s14, $0x20;
	[tilespmem:$0x2020] =	vst v63  }
.LBB1_5:
0x15: {  	s16 =	sadd.s32 $0x1, s9  }
0x16: {  	s13 =	simm.s32 $0x1;
	p2 =	sgt.s32 s16, $0x7  }
0x17: {  	s13 =	simm.s32 @!p2 $0x0  }
0x18: {  	s17 =	sadd.s32 s13, s10  }
0x19: {  	s19 =	smov.u32 s11;
	s13 =	sadd.s32 $0x1000, s11;
	p3 =	sgt.s32 s17, $0x19  }
0x1a: {  	s19 =	smov.u32 @p3 s13  }
0x1b: {  	p1 =	slt.u32 s12, $0x2;
	s16 =	simm.s32 @p2 $0x0;
	p2 =	sgt.s32 s19, $0xFFF  }
0x1c: {  	s18 =	simm.s32 @!p1 $0x2;
	s19 =	smov.u32 @p2 s2;
	p2 =	sne.s32 s12, s7  }
.Ltmp1:
0x1d: {  	_ =	swait.ge @!p1 [sflag:s18], $0x800;
	(pc) =	sbr.rel @!p2 .LBB1_6-.Ltmp1, $4  }
0x1e: {  	s15 =	smov.u32 s10;
	[sflag:s18] =	ssyncset.done @!p1 $0x0  }
0x1f: {  	s14 =	smov.u32 s11;
	p0 =	por !p0, !p0;
	[sflag:s18] =	ssyncadd.s32 @!p1 $0xFFFFF800  }
0x20: {  	s17 =	simm.s32 @p3 $0x0;
	s13 =	smov.u32 s9;
	s9 =	smov.u32 s16  }
0x21: {  	s10 =	smov.u32 s17;
	s12 =	sadd.s32 $0x1, s12;
	s11 =	smov.u32 s19  }
.LBB1_1:
0x22: {  	p1 =	sge.u32 s12, s5  }
0x23: {  	s17 =	smul.u32 @!p1 $0xD00, s11  }
0x24: {  	s31 =	sadd.s32 $0xFFFFFFFF, s12;
	s16 =	sxor.u32 @!p1 $0xFFFFFFFF, s12;
	s18 =	sshll.u32 @!p1 s10, $0x7  }
0x25: {  	s19 =	sshll.u32 @!p1 s9, $0x4;
	s16 =	sshll.u32 @!p1 s16, $0xB;
	s17 =	sadd.s32 @!p1 s6, s17  }
0x26: {  	s19 =	sand.u32 @!p1 $0x70, s19;
	s16 =	sand.u32 @!p1 $0x800, s16;
	s17 =	sadd.s32 @!p1 s18, s17  }
0x27: {  	s18 =	simm.s32 @!p1 $0x10;
	s17 =	sadd.s32 @!p1 s19, s17;
	s19 =	simm.s32 @!p1 $0x6800  }
0x28: {  	[tilespmem:s16], [sflag:$0x1] =	stream.strided.gather @!p1 [hbm4b:s17+s18], $0x800, s19, s18, $0x38;
	[tilespmem:$0x2020] =	vst v63  }
0x29: {  	p1 =	sge.u32 s31, s5  }
.Ltmp2:
0x2a: {  	_ = 	snop;
	(pc) =	sbr.rel @p1 .LBB1_5-.Ltmp2, $1  }
0x2b: {  	_ =	sdelay $0x3  }
0x2c: {  	s16 =	simm.s32 $0x1  }
0x2d: {  	s16 =	simm.s32 @!p0 $0x0  }
0x2e: {  	s17 =	sshll.u32 s16, $0xB  }
0x2f: {  	v1 =	vmov s17;
	_ =	sdelay $0x1  }
0x30: {  	_ =	swait.ge [sflag:s4], $0x800  }
0x31: {  	s31 =	sand.u32 $0x1, s12;
	[sflag:s4] =	ssyncset.done $0x0  }
0x32: {  	s19 =	simm.s32 $0x0;
	s16 =	smul.u32 $0x2040, s16;
	[sflag:s4] =	ssyncadd.s32 $0xFFFFF800  }
0x33: {  	s17 =	smul.u32 $0x2040, s31;
	v0 =	vld.idx.msk [tilespmem:v1+s19+$0x0 ss:$0x1], $0xffff;
	_ =	sdelay $0x1  }
0x34: {  	s16 =	sshrl.u32 s16, $0x2;
	s18 =	sshrl.u32 s17, $0x2  }
0x35: {  	s17 =	sor.u32 $0x1000, s16;
	s16 =	sor.u32 $0x1000, s18;
	s18 =	simm.s32 $0x40  }
.LBB1_3:
0x36: {  	s19 =	sshra.s32 s18, $0x2;
	p1 =	sne.s32 s18, $0x1FC0;
	s18 =	sadd.s32 $0x40, s18  }
.Ltmp3:
0x37: {  	[tilespmem:s17+$0x0 ss:$0x81] =	vst.msk $0xffff, v0;
	v0 =	vld.idx.msk [tilespmem:v1+s19+$0x0 ss:$0x1], $0xffff;
	(pc) =	sbr.rel @p1 .LBB1_3-.Ltmp3, $2  }
0x38: {  	_ =	sdelay $0x2  }
0x39: {  	s17 =	sadd.s32 $0x1, s17  }
.Ltmp4:
0x3a: {  	_ = 	snop;
	(pc) =	sbr.rel .LBB1_4-.Ltmp4, $1  }
0x3b: {  	_ =	sdelay $0x3  }
.LBB1_6:
0x3c: {  	_ =	sfence.sel $0x180000  }
0x3d: {  	s2 =	simm.s32 $0x1;
	[bflag:$0x0] =	sbarrier.arrive $0xFFFF  }
0x3e: {  	s31 =	simm.s32 $0x2;
	[sflag:s2] =	ssyncpa.u1 $0x1  }
0x3f: {  	[sflag:s31] =	ssyncpa.u1 $0x1  }
0x40: {  	p0 =	sne.s32 s0, $0x0;
	_ =	strace $0x9000005B  }
0x41: {  	s0 =	sadd.s32 @!p0 $0x100000, s1;
	[bflag:$0x2] =	sbarrier.arrive $0xFFFF  }
0x42: {  	[sflag:s0] =	ssyncadd.tile.s32 @!p0 $0x1;
	_ =	shalt  }
.Lfunc_end1:
_tile_overlayer_lowered:
.L_overlay_start_2:
0x43: {  	(tag) =	ssettag $0x2  }
0x44: {  	s0 =	rddreg [dreg:$0x0];
	s2 =	stileid.u32  }
0x45: {  	s1 =	rddreg [dreg:$0x1];
	p0 =	sne.s32 s2, $0x0  }
0x46: {  	s3 =	rddreg [dreg:$0x2];
	[bflag:$0x3] =	sbarrier.arrive $0xFFFF;
	s2 =	simm.s32 @!p0 $0x1C01  }
0x47: {  	[timem:s3], [sflag:s2] =	dma.local @!p0 [hbm:s0], s1  }
0x48: {  	s0 =	simm.s32 @!p0 $0x1  }
0x49: {  	_ =	swait.ge @!p0 [sflag:s0], s1  }
0x4a: {  	s1 =	ssub.s32 @!p0 $0x0, s1;
	[sflag:s0] =	ssyncset.done @!p0 $0x0  }
0x4b: {  	[sflag:s0] =	ssyncadd.s32 @!p0 s1  }
0x4c: {  	[bflag:$0x3] =	sbarrier.arrive $0xFFFF  }
0x4d: {  	_ =	shalt  }

</sc_bundles>
